<compile_context>
chip_gen: v7x
topology: tpu7x:2x2x1
jax: 0.10.2.dev20260603
libtpu: 0.0.44.dev20260713+nightly
codegen_flags: <defaults>
</compile_context>

<pallas_src>
import functools

import jax
import jax.numpy as jnp
from jax import lax
from jax.experimental import pallas as pl
from jax.experimental.pallas import tpu as pltpu
from jax.experimental.pallas import tpu_sc as plsc

VOCAB_ROWS = 1000000
EMBED_DIM = 32
BBLK = 128
NUM_WORKERS = 32

REPACK_VBLK = 2048
SEG = 512


def _tc_repack_kernel(sel_ref, tt_ref, out_ref):
    sel = sel_ref[...]
    for g in range(REPACK_VBLK // SEG):
        xg = tt_ref[:, SEG * g : SEG * (g + 1)]
        y = jax.lax.dot_general(
            sel,
            xg,
            (((1,), (1,)), ((), ())),
            preferred_element_type=jnp.float32,
        )
        for j in range(4):
            out_ref[
                pl.ds(SEG // 4 * g, SEG // 4),
                pl.ds(EMBED_DIM * j, EMBED_DIM),
            ] = y[SEG // 4 * j : SEG // 4 * (j + 1), :]


def _tc_repack(table_t):
    p_i = lax.broadcasted_iota(jnp.int32, (SEG, SEG), 0)
    v_i = lax.broadcasted_iota(jnp.int32, (SEG, SEG), 1)
    sel = (v_i == 4 * (p_i % (SEG // 4)) + p_i // (SEG // 4)).astype(
        jnp.float32
    )
    return pl.pallas_call(
        _tc_repack_kernel,
        grid=(pl.cdiv(VOCAB_ROWS, REPACK_VBLK),),
        in_specs=[
            pl.BlockSpec((SEG, SEG), lambda g: (0, 0)),
            pl.BlockSpec((EMBED_DIM, REPACK_VBLK), lambda g: (0, g)),
        ],
        out_specs=pl.BlockSpec(
            (REPACK_VBLK // 4, 4 * EMBED_DIM), lambda g: (g, 0)
        ),
        out_shape=jax.ShapeDtypeStruct(
            (VOCAB_ROWS // 4, 4 * EMBED_DIM), jnp.float32
        ),
    )(sel, table_t)


def _tc_out_transpose_kernel(x_ref, out_ref):
    out_ref[...] = x_ref[...].T


def _tc_out_transpose(x, seq_len, batch):
    return pl.pallas_call(
        _tc_out_transpose_kernel,
        grid=(seq_len // 4,),
        in_specs=[pl.BlockSpec((batch, 4 * EMBED_DIM), lambda g: (g, 0))],
        out_specs=pl.BlockSpec((4 * EMBED_DIM, batch), lambda g: (g, 0)),
        out_shape=jax.ShapeDtypeStruct(
            (seq_len * EMBED_DIM, batch), jnp.float32
        ),
    )(x)


def _sc_gather(sents_t, table_rm):
    seq_len, batch = sents_t.shape

    mesh = plsc.VectorSubcoreMesh(core_axis_name="c", subcore_axis_name="s")

    @functools.partial(
        pl.kernel,
        mesh=mesh,
        out_type=jax.ShapeDtypeStruct(
            (seq_len * batch // 4, 4 * EMBED_DIM), jnp.float32
        ),
        scratch_types=[
            pltpu.VMEM((seq_len, BBLK), jnp.int32),
            pltpu.VMEM((4, BBLK, EMBED_DIM), jnp.float32),
            pltpu.SemaphoreType.DMA,
        ],
        compiler_params=pltpu.CompilerParams(use_tc_tiling_on_sc=False),
    )
    def k(table_hbm, idx_hbm, out_hbm, idx_v, rows_v, gsem):
        wid = lax.axis_index("s") * 2 + lax.axis_index("c")
        b0 = wid * BBLK

        pltpu.sync_copy(idx_hbm.at[:, pl.ds(b0, BBLK)], idx_v)

        def start_gather(s, b):
            pltpu.async_copy(table_hbm.at[idx_v.at[s]], rows_v.at[b], gsem)

        def wait_gather(b):
            pltpu.make_async_copy(
                table_hbm.at[idx_v.at[0]], rows_v.at[b], gsem
            ).wait()

        for b in range(4):
            start_gather(b, b)

        def body(g, carry):
            for b in range(4):
                s = g * 4 + b
                wait_gather(b)
                pltpu.sync_copy(
                    rows_v.at[b],
                    out_hbm.at[
                        pl.ds(g * batch + b0, BBLK),
                        pl.ds(b * EMBED_DIM, EMBED_DIM),
                    ],
                )

                @pl.when(s + 4 < seq_len)
                def _():
                    start_gather(s + 4, b)

            return carry

        lax.fori_loop(0, seq_len // 4, body, 0)

    return k(table_rm, sents_t)


def kernel(sents, table):
    if sents.ndim < 2:
        sents = sents[None, :]
    batch, seq_len = sents.shape

    table_rm = _tc_repack(table.T).reshape(VOCAB_ROWS, EMBED_DIM)
    x2 = _sc_gather(sents.T.astype(jnp.int32), table_rm)
    out2d = _tc_out_transpose(x2, seq_len, batch)
    return out2d.reshape(seq_len, EMBED_DIM, batch).transpose(2, 0, 1)

# --- scband reference (transcript-rebuilt; emitter-appended) ---
"""Pipeline reference for scband-word-encoder-81664508166834 (READ-ONLY COPY).

The authoritative reference and input builder live on the scoring server;
editing this copy changes nothing except your own understanding.
"""

import jax, jax.numpy as jnp
import numpy as np

VOCAB = 1000000
EMBED_DIM = 32
BATCH = 4096
SEQ_LEN = 200

def setup_inputs(seed: int = 0) -> dict:
    key = jax.random.key(seed)
    k1, k2 = jax.random.split(key)
    sents = jax.random.randint(k1, (BATCH, SEQ_LEN), 0, VOCAB, dtype=jnp.int64 if jax.config.jax_enable_x64 else jnp.int32)
    table = jax.random.normal(k2, (VOCAB, EMBED_DIM), dtype=jnp.float32)
    return {"sents": sents, "table": table}

def reference(sents, table):
    # wordEncoder.forward: unsqueeze if rank<2, then embedding lookup
    if sents.ndim < 2:
        sents = sents[None, :]
    w_embed = jnp.take(table, sents, axis=0)  # batch x seq_len x d_word_vec
    return w_embed

if __name__ == "__main__":
    import jax
    _d = setup_inputs()
    print(jax.jit(kernel)(*tuple(_d.values())))

</pallas_src>

<mosaic_0001>
#map = affine_map<(d0, d1) -> (0, 0)>
module attributes {stable_mosaic.version = 14 : i64} {
  func.func @k(%arg0: i32, %arg1: i32, %arg2: memref<1000000x32xf32, #tpu.memory_space<hbm>>, %arg3: memref<200x4096xi32, #tpu.memory_space<hbm>>, %arg4: memref<204800x128xf32, #tpu.memory_space<hbm>>, %arg5: memref<200x128xi32, #tpu.memory_space<vmem>>, %arg6: memref<4x128x32xf32, #tpu.memory_space<vmem>>, %arg7: memref<!tpu.dma_semaphore, #tpu.memory_space<semaphore_mem>>) attributes {dimension_semantics = [#tpu.dimension_semantics<core_parallel>, #tpu.dimension_semantics<subcore_parallel>], iteration_bounds = array<i64: 2, 16>, scalar_prefetch = 0 : i64, scratch_operands = 3 : i64, tpu.core_type = #tpu.core_type<sc_vector_subcore>, window_params = [{transform_indices = #map}, {transform_indices = #map}, {transform_indices = #map}]} {
    %mul3A = arith.constant 2 : i32
    %mul3A_0 = arith.muli %arg1, %mul3A : i32
    %add3A = arith.addi %mul3A_0, %arg0 : i32
    %mul3A_1 = arith.constant 128 : i32
    %mul3A_2 = arith.muli %add3A, %mul3A_1 : i32
    "tpu.region"() ({
      %run_scoped3A = tpu.sem_alloc : memref<!tpu.dma_semaphore, #tpu.memory_space<semaphore_mem>>
      %dma_start3A_55 = arith.constant 0 : i32
      %dma_start3A_56 = tpu.memref_slice %arg3[%dma_start3A_55, %mul3A_2] : memref<200x4096xi32, #tpu.memory_space<hbm>> -> memref<200x128xi32, #tpu.memory_space<hbm>>
      %dma_start3A_57 = arith.constant 0 : i32
      %dma_start3A_58 = tpu.memref_slice %arg3[%dma_start3A_57, %mul3A_2] : memref<200x4096xi32, #tpu.memory_space<hbm>> -> memref<200x128xi32, #tpu.memory_space<hbm>>
      tpu.enqueue_dma source(%dma_start3A_58 : memref<200x128xi32, #tpu.memory_space<hbm>>) target(%arg5 : memref<200x128xi32, #tpu.memory_space<vmem>>) target_semaphore(%run_scoped3A : memref<!tpu.dma_semaphore, #tpu.memory_space<semaphore_mem>>)
      %dma_wait3A = arith.constant 0 : i32
      %dma_wait3A_59 = tpu.memref_slice %arg3[%dma_wait3A, %mul3A_2] : memref<200x4096xi32, #tpu.memory_space<hbm>> -> memref<200x128xi32, #tpu.memory_space<hbm>>
      %dma_wait3A_60 = arith.constant 0 : i32
      %dma_wait3A_61 = tpu.memref_slice %arg3[%dma_wait3A_60, %mul3A_2] : memref<200x4096xi32, #tpu.memory_space<hbm>> -> memref<200x128xi32, #tpu.memory_space<hbm>>
      tpu.wait_dma2 semaphore(%run_scoped3A : memref<!tpu.dma_semaphore, #tpu.memory_space<semaphore_mem>>) src(%dma_wait3A_61 : memref<200x128xi32, #tpu.memory_space<hbm>>) dst(%arg5 : memref<200x128xi32, #tpu.memory_space<vmem>>)
      tpu.yield
    }) : () -> ()
    %dma_start3A = arith.constant 0 : i32
    %dma_start3A_3 = arith.constant 0 : i32
    %dma_start3A_4 = arith.constant 0 : i32
    %dma_start3A_5 = arith.constant 0 : i32
    %dma_start3A_6 = tpu.memref_slice %arg6[%dma_start3A_3, %dma_start3A_4, %dma_start3A_5] : memref<4x128x32xf32, #tpu.memory_space<vmem>> -> memref<1x128x32xf32, #tpu.memory_space<vmem>>
    %dma_start3A_7 = tpu.memref_squeeze %dma_start3A_6 : memref<1x128x32xf32, #tpu.memory_space<vmem>> -> memref<128x32xf32, #tpu.memory_space<vmem>>
    %dma_start3A_8 = arith.constant 0 : i32
    %dma_start3A_9 = tpu.memref_slice %arg5[%dma_start3A, %dma_start3A_8] : memref<200x128xi32, #tpu.memory_space<vmem>> -> memref<1x128xi32, #tpu.memory_space<vmem>>
    %dma_start3A_10 = tpu.memref_squeeze %dma_start3A_9 : memref<1x128xi32, #tpu.memory_space<vmem>> -> memref<128xi32, #tpu.memory_space<vmem>>
    %dma_start3A_11 = arith.constant 0 : i32
    %dma_start3A_12 = arith.constant 0 : i32
    %dma_start3A_13 = tpu.memref_slice %arg2[%dma_start3A_11, %dma_start3A_12] : memref<1000000x32xf32, #tpu.memory_space<hbm>> -> memref<1000000x32xf32, #tpu.memory_space<hbm>>
    tpu.enqueue_indirect_dma source(%dma_start3A_13 : memref<1000000x32xf32, #tpu.memory_space<hbm>>) target(%dma_start3A_7 : memref<128x32xf32, #tpu.memory_space<vmem>>) offsets(%dma_start3A_10 : memref<128xi32, #tpu.memory_space<vmem>>) semaphore(%arg7 : memref<!tpu.dma_semaphore, #tpu.memory_space<semaphore_mem>>)
    %dma_start3A_14 = arith.constant 1 : i32
    %dma_start3A_15 = arith.constant 1 : i32
    %dma_start3A_16 = arith.constant 0 : i32
    %dma_start3A_17 = arith.constant 0 : i32
    %dma_start3A_18 = tpu.memref_slice %arg6[%dma_start3A_15, %dma_start3A_16, %dma_start3A_17] : memref<4x128x32xf32, #tpu.memory_space<vmem>> -> memref<1x128x32xf32, #tpu.memory_space<vmem>>
    %dma_start3A_19 = tpu.memref_squeeze %dma_start3A_18 : memref<1x128x32xf32, #tpu.memory_space<vmem>> -> memref<128x32xf32, #tpu.memory_space<vmem>>
    %dma_start3A_20 = arith.constant 0 : i32
    %dma_start3A_21 = tpu.memref_slice %arg5[%dma_start3A_14, %dma_start3A_20] : memref<200x128xi32, #tpu.memory_space<vmem>> -> memref<1x128xi32, #tpu.memory_space<vmem>>
    %dma_start3A_22 = tpu.memref_squeeze %dma_start3A_21 : memref<1x128xi32, #tpu.memory_space<vmem>> -> memref<128xi32, #tpu.memory_space<vmem>>
    %dma_start3A_23 = arith.constant 0 : i32
    %dma_start3A_24 = arith.constant 0 : i32
    %dma_start3A_25 = tpu.memref_slice %arg2[%dma_start3A_23, %dma_start3A_24] : memref<1000000x32xf32, #tpu.memory_space<hbm>> -> memref<1000000x32xf32, #tpu.memory_space<hbm>>
    tpu.enqueue_indirect_dma source(%dma_start3A_25 : memref<1000000x32xf32, #tpu.memory_space<hbm>>) target(%dma_start3A_19 : memref<128x32xf32, #tpu.memory_space<vmem>>) offsets(%dma_start3A_22 : memref<128xi32, #tpu.memory_space<vmem>>) semaphore(%arg7 : memref<!tpu.dma_semaphore, #tpu.memory_space<semaphore_mem>>)
    %dma_start3A_26 = arith.constant 2 : i32
    %dma_start3A_27 = arith.constant 2 : i32
    %dma_start3A_28 = arith.constant 0 : i32
    %dma_start3A_29 = arith.constant 0 : i32
    %dma_start3A_30 = tpu.memref_slice %arg6[%dma_start3A_27, %dma_start3A_28, %dma_start3A_29] : memref<4x128x32xf32, #tpu.memory_space<vmem>> -> memref<1x128x32xf32, #tpu.memory_space<vmem>>
    %dma_start3A_31 = tpu.memref_squeeze %dma_start3A_30 : memref<1x128x32xf32, #tpu.memory_space<vmem>> -> memref<128x32xf32, #tpu.memory_space<vmem>>
    %dma_start3A_32 = arith.constant 0 : i32
    %dma_start3A_33 = tpu.memref_slice %arg5[%dma_start3A_26, %dma_start3A_32] : memref<200x128xi32, #tpu.memory_space<vmem>> -> memref<1x128xi32, #tpu.memory_space<vmem>>
    %dma_start3A_34 = tpu.memref_squeeze %dma_start3A_33 : memref<1x128xi32, #tpu.memory_space<vmem>> -> memref<128xi32, #tpu.memory_space<vmem>>
    %dma_start3A_35 = arith.constant 0 : i32
    %dma_start3A_36 = arith.constant 0 : i32
    %dma_start3A_37 = tpu.memref_slice %arg2[%dma_start3A_35, %dma_start3A_36] : memref<1000000x32xf32, #tpu.memory_space<hbm>> -> memref<1000000x32xf32, #tpu.memory_space<hbm>>
    tpu.enqueue_indirect_dma source(%dma_start3A_37 : memref<1000000x32xf32, #tpu.memory_space<hbm>>) target(%dma_start3A_31 : memref<128x32xf32, #tpu.memory_space<vmem>>) offsets(%dma_start3A_34 : memref<128xi32, #tpu.memory_space<vmem>>) semaphore(%arg7 : memref<!tpu.dma_semaphore, #tpu.memory_space<semaphore_mem>>)
    %dma_start3A_38 = arith.constant 3 : i32
    %dma_start3A_39 = arith.constant 3 : i32
    %dma_start3A_40 = arith.constant 0 : i32
    %dma_start3A_41 = arith.constant 0 : i32
    %dma_start3A_42 = tpu.memref_slice %arg6[%dma_start3A_39, %dma_start3A_40, %dma_start3A_41] : memref<4x128x32xf32, #tpu.memory_space<vmem>> -> memref<1x128x32xf32, #tpu.memory_space<vmem>>
    %dma_start3A_43 = tpu.memref_squeeze %dma_start3A_42 : memref<1x128x32xf32, #tpu.memory_space<vmem>> -> memref<128x32xf32, #tpu.memory_space<vmem>>
    %dma_start3A_44 = arith.constant 0 : i32
    %dma_start3A_45 = tpu.memref_slice %arg5[%dma_start3A_38, %dma_start3A_44] : memref<200x128xi32, #tpu.memory_space<vmem>> -> memref<1x128xi32, #tpu.memory_space<vmem>>
    %dma_start3A_46 = tpu.memref_squeeze %dma_start3A_45 : memref<1x128xi32, #tpu.memory_space<vmem>> -> memref<128xi32, #tpu.memory_space<vmem>>
    %dma_start3A_47 = arith.constant 0 : i32
    %dma_start3A_48 = arith.constant 0 : i32
    %dma_start3A_49 = tpu.memref_slice %arg2[%dma_start3A_47, %dma_start3A_48] : memref<1000000x32xf32, #tpu.memory_space<hbm>> -> memref<1000000x32xf32, #tpu.memory_space<hbm>>
    tpu.enqueue_indirect_dma source(%dma_start3A_49 : memref<1000000x32xf32, #tpu.memory_space<hbm>>) target(%dma_start3A_43 : memref<128x32xf32, #tpu.memory_space<vmem>>) offsets(%dma_start3A_46 : memref<128xi32, #tpu.memory_space<vmem>>) semaphore(%arg7 : memref<!tpu.dma_semaphore, #tpu.memory_space<semaphore_mem>>)
    %scan3A = arith.constant 0 : i32
    %scan3A_50 = arith.constant 0 : i32
    %scan3A_51 = arith.constant 50 : i32
    %scan3A_52 = arith.addi %scan3A_50, %scan3A_51 : i32
    %scan3A_53 = arith.constant 1 : i32
    scf.for %scan3A_55 = %scan3A_50 to %scan3A_52 step %scan3A_53  : i32 {
      %mul3A_56 = arith.constant 4 : i32
      %mul3A_57 = arith.muli %scan3A_55, %mul3A_56 : i32
      %add3A_58 = arith.constant 0 : i32
      %add3A_59 = arith.addi %mul3A_57, %add3A_58 : i32
      %dma_wait3A = arith.constant 0 : i32
      %dma_wait3A_60 = arith.constant 0 : i32
      %dma_wait3A_61 = arith.constant 0 : i32
      %dma_wait3A_62 = arith.constant 0 : i32
      %dma_wait3A_63 = tpu.memref_slice %arg6[%dma_wait3A_60, %dma_wait3A_61, %dma_wait3A_62] : memref<4x128x32xf32, #tpu.memory_space<vmem>> -> memref<1x128x32xf32, #tpu.memory_space<vmem>>
      %dma_wait3A_64 = tpu.memref_squeeze %dma_wait3A_63 : memref<1x128x32xf32, #tpu.memory_space<vmem>> -> memref<128x32xf32, #tpu.memory_space<vmem>>
      %dma_wait3A_65 = arith.constant 0 : i32
      %dma_wait3A_66 = tpu.memref_slice %arg5[%dma_wait3A, %dma_wait3A_65] : memref<200x128xi32, #tpu.memory_space<vmem>> -> memref<1x128xi32, #tpu.memory_space<vmem>>
      %dma_wait3A_67 = tpu.memref_squeeze %dma_wait3A_66 : memref<1x128xi32, #tpu.memory_space<vmem>> -> memref<128xi32, #tpu.memory_space<vmem>>
      %dma_wait3A_68 = arith.constant 0 : i32
      %dma_wait3A_69 = arith.constant 0 : i32
      %dma_wait3A_70 = tpu.memref_slice %arg2[%dma_wait3A_68, %dma_wait3A_69] : memref<1000000x32xf32, #tpu.memory_space<hbm>> -> memref<1000000x32xf32, #tpu.memory_space<hbm>>
      tpu.wait_indirect_dma semaphore(%arg7 : memref<!tpu.dma_semaphore, #tpu.memory_space<semaphore_mem>>) src(%dma_wait3A_70 : memref<1000000x32xf32, #tpu.memory_space<hbm>>) dst(%dma_wait3A_64 : memref<128x32xf32, #tpu.memory_space<vmem>>)
      %mul3A_71 = arith.constant 4096 : i32
      %mul3A_72 = arith.muli %scan3A_55, %mul3A_71 : i32
      %add3A_73 = arith.addi %mul3A_72, %mul3A_2 : i32
      %run_scoped3A = arith.constant 0 : i32
      "tpu.region"() ({
        %run_scoped3A_159 = tpu.sem_alloc : memref<!tpu.dma_semaphore, #tpu.memory_space<semaphore_mem>>
        %dma_start3A_160 = arith.constant 0 : i32
        %dma_start3A_161 = arith.constant 0 : i32
        %dma_start3A_162 = tpu.memref_slice %arg6[%run_scoped3A, %dma_start3A_160, %dma_start3A_161] : memref<4x128x32xf32, #tpu.memory_space<vmem>> -> memref<1x128x32xf32, #tpu.memory_space<vmem>>
        %dma_start3A_163 = tpu.memref_squeeze %dma_start3A_162 : memref<1x128x32xf32, #tpu.memory_space<vmem>> -> memref<128x32xf32, #tpu.memory_space<vmem>>
        %dma_start3A_164 = arith.constant 0 : i32
        %dma_start3A_165 = tpu.memref_slice %arg4[%add3A_73, %dma_start3A_164] : memref<204800x128xf32, #tpu.memory_space<hbm>> -> memref<128x32xf32, #tpu.memory_space<hbm>>
        %dma_start3A_166 = arith.constant 0 : i32
        %dma_start3A_167 = tpu.memref_slice %arg4[%add3A_73, %dma_start3A_166] : memref<204800x128xf32, #tpu.memory_space<hbm>> -> memref<128x32xf32, #tpu.memory_space<hbm>>
        %dma_start3A_168 = arith.constant 0 : i32
        %dma_start3A_169 = arith.constant 0 : i32
        %dma_start3A_170 = tpu.memref_slice %arg6[%run_scoped3A, %dma_start3A_168, %dma_start3A_169] : memref<4x128x32xf32, #tpu.memory_space<vmem>> -> memref<1x128x32xf32, #tpu.memory_space<vmem>>
        %dma_start3A_171 = tpu.memref_squeeze %dma_start3A_170 : memref<1x128x32xf32, #tpu.memory_space<vmem>> -> memref<128x32xf32, #tpu.memory_space<vmem>>
        tpu.enqueue_dma source(%dma_start3A_171 : memref<128x32xf32, #tpu.memory_space<vmem>>) target(%dma_start3A_167 : memref<128x32xf32, #tpu.memory_space<hbm>>) target_semaphore(%run_scoped3A_159 : memref<!tpu.dma_semaphore, #tpu.memory_space<semaphore_mem>>)
        %dma_wait3A_172 = arith.constant 0 : i32
        %dma_wait3A_173 = arith.constant 0 : i32
        %dma_wait3A_174 = tpu.memref_slice %arg6[%run_scoped3A, %dma_wait3A_172, %dma_wait3A_173] : memref<4x128x32xf32, #tpu.memory_space<vmem>> -> memref<1x128x32xf32, #tpu.memory_space<vmem>>
        %dma_wait3A_175 = tpu.memref_squeeze %dma_wait3A_174 : memref<1x128x32xf32, #tpu.memory_space<vmem>> -> memref<128x32xf32, #tpu.memory_space<vmem>>
        %dma_wait3A_176 = arith.constant 0 : i32
        %dma_wait3A_177 = tpu.memref_slice %arg4[%add3A_73, %dma_wait3A_176] : memref<204800x128xf32, #tpu.memory_space<hbm>> -> memref<128x32xf32, #tpu.memory_space<hbm>>
        %dma_wait3A_178 = arith.constant 0 : i32
        %dma_wait3A_179 = tpu.memref_slice %arg4[%add3A_73, %dma_wait3A_178] : memref<204800x128xf32, #tpu.memory_space<hbm>> -> memref<128x32xf32, #tpu.memory_space<hbm>>
        %dma_wait3A_180 = arith.constant 0 : i32
        %dma_wait3A_181 = arith.constant 0 : i32
        %dma_wait3A_182 = tpu.memref_slice %arg6[%run_scoped3A, %dma_wait3A_180, %dma_wait3A_181] : memref<4x128x32xf32, #tpu.memory_space<vmem>> -> memref<1x128x32xf32, #tpu.memory_space<vmem>>
        %dma_wait3A_183 = tpu.memref_squeeze %dma_wait3A_182 : memref<1x128x32xf32, #tpu.memory_space<vmem>> -> memref<128x32xf32, #tpu.memory_space<vmem>>
        tpu.wait_dma2 semaphore(%run_scoped3A_159 : memref<!tpu.dma_semaphore, #tpu.memory_space<semaphore_mem>>) src(%dma_wait3A_183 : memref<128x32xf32, #tpu.memory_space<vmem>>) dst(%dma_wait3A_179 : memref<128x32xf32, #tpu.memory_space<hbm>>)
        tpu.yield
      }) : () -> ()
      %add3A_74 = arith.constant 4 : i32
      %add3A_75 = arith.addi %add3A_59, %add3A_74 : i32
      %lt3A = arith.constant 200 : i32
      %lt3A_76 = arith.cmpi slt, %add3A_75, %lt3A : i32
      %convert_element_type3A = arith.extui %lt3A_76 : i1 to i32
      %cond3A = arith.constant 0 : i32
      %cond3A_77 = arith.cmpi ne, %convert_element_type3A, %cond3A : i32
      scf.if %cond3A_77 {
        %add3A_159 = arith.constant 4 : i32
        %add3A_160 = arith.addi %add3A_59, %add3A_159 : i32
        %dma_start3A_161 = arith.constant 0 : i32
        %dma_start3A_162 = arith.constant 0 : i32
        %dma_start3A_163 = arith.constant 0 : i32
        %dma_start3A_164 = tpu.memref_slice %arg6[%dma_start3A_161, %dma_start3A_162, %dma_start3A_163] : memref<4x128x32xf32, #tpu.memory_space<vmem>> -> memref<1x128x32xf32, #tpu.memory_space<vmem>>
        %dma_start3A_165 = tpu.memref_squeeze %dma_start3A_164 : memref<1x128x32xf32, #tpu.memory_space<vmem>> -> memref<128x32xf32, #tpu.memory_space<vmem>>
        %dma_start3A_166 = arith.constant 0 : i32
        %dma_start3A_167 = tpu.memref_slice %arg5[%add3A_160, %dma_start3A_166] : memref<200x128xi32, #tpu.memory_space<vmem>> -> memref<1x128xi32, #tpu.memory_space<vmem>>
        %dma_start3A_168 = tpu.memref_squeeze %dma_start3A_167 : memref<1x128xi32, #tpu.memory_space<vmem>> -> memref<128xi32, #tpu.memory_space<vmem>>
        %dma_start3A_169 = arith.constant 0 : i32
        %dma_start3A_170 = arith.constant 0 : i32
        %dma_start3A_171 = tpu.memref_slice %arg2[%dma_start3A_169, %dma_start3A_170] : memref<1000000x32xf32, #tpu.memory_space<hbm>> -> memref<1000000x32xf32, #tpu.memory_space<hbm>>
        tpu.enqueue_indirect_dma source(%dma_start3A_171 : memref<1000000x32xf32, #tpu.memory_space<hbm>>) target(%dma_start3A_165 : memref<128x32xf32, #tpu.memory_space<vmem>>) offsets(%dma_start3A_168 : memref<128xi32, #tpu.memory_space<vmem>>) semaphore(%arg7 : memref<!tpu.dma_semaphore, #tpu.memory_space<semaphore_mem>>)
      } else {
      }
      %mul3A_78 = arith.constant 4 : i32
      %mul3A_79 = arith.muli %scan3A_55, %mul3A_78 : i32
      %add3A_80 = arith.constant 1 : i32
      %add3A_81 = arith.addi %mul3A_79, %add3A_80 : i32
      %dma_wait3A_82 = arith.constant 0 : i32
      %dma_wait3A_83 = arith.constant 1 : i32
      %dma_wait3A_84 = arith.constant 0 : i32
      %dma_wait3A_85 = arith.constant 0 : i32
      %dma_wait3A_86 = tpu.memref_slice %arg6[%dma_wait3A_83, %dma_wait3A_84, %dma_wait3A_85] : memref<4x128x32xf32, #tpu.memory_space<vmem>> -> memref<1x128x32xf32, #tpu.memory_space<vmem>>
      %dma_wait3A_87 = tpu.memref_squeeze %dma_wait3A_86 : memref<1x128x32xf32, #tpu.memory_space<vmem>> -> memref<128x32xf32, #tpu.memory_space<vmem>>
      %dma_wait3A_88 = arith.constant 0 : i32
      %dma_wait3A_89 = tpu.memref_slice %arg5[%dma_wait3A_82, %dma_wait3A_88] : memref<200x128xi32, #tpu.memory_space<vmem>> -> memref<1x128xi32, #tpu.memory_space<vmem>>
      %dma_wait3A_90 = tpu.memref_squeeze %dma_wait3A_89 : memref<1x128xi32, #tpu.memory_space<vmem>> -> memref<128xi32, #tpu.memory_space<vmem>>
      %dma_wait3A_91 = arith.constant 0 : i32
      %dma_wait3A_92 = arith.constant 0 : i32
      %dma_wait3A_93 = tpu.memref_slice %arg2[%dma_wait3A_91, %dma_wait3A_92] : memref<1000000x32xf32, #tpu.memory_space<hbm>> -> memref<1000000x32xf32, #tpu.memory_space<hbm>>
      tpu.wait_indirect_dma semaphore(%arg7 : memref<!tpu.dma_semaphore, #tpu.memory_space<semaphore_mem>>) src(%dma_wait3A_93 : memref<1000000x32xf32, #tpu.memory_space<hbm>>) dst(%dma_wait3A_87 : memref<128x32xf32, #tpu.memory_space<vmem>>)
      %mul3A_94 = arith.constant 4096 : i32
      %mul3A_95 = arith.muli %scan3A_55, %mul3A_94 : i32
      %add3A_96 = arith.addi %mul3A_95, %mul3A_2 : i32
      %run_scoped3A_97 = arith.constant 1 : i32
      "tpu.region"() ({
        %run_scoped3A_159 = tpu.sem_alloc : memref<!tpu.dma_semaphore, #tpu.memory_space<semaphore_mem>>
        %dma_start3A_160 = arith.constant 0 : i32
        %dma_start3A_161 = arith.constant 0 : i32
        %dma_start3A_162 = tpu.memref_slice %arg6[%run_scoped3A_97, %dma_start3A_160, %dma_start3A_161] : memref<4x128x32xf32, #tpu.memory_space<vmem>> -> memref<1x128x32xf32, #tpu.memory_space<vmem>>
        %dma_start3A_163 = tpu.memref_squeeze %dma_start3A_162 : memref<1x128x32xf32, #tpu.memory_space<vmem>> -> memref<128x32xf32, #tpu.memory_space<vmem>>
        %dma_start3A_164 = arith.constant 32 : i32
        %dma_start3A_165 = tpu.memref_slice %arg4[%add3A_96, %dma_start3A_164] : memref<204800x128xf32, #tpu.memory_space<hbm>> -> memref<128x32xf32, #tpu.memory_space<hbm>>
        %dma_start3A_166 = arith.constant 32 : i32
        %dma_start3A_167 = tpu.memref_slice %arg4[%add3A_96, %dma_start3A_166] : memref<204800x128xf32, #tpu.memory_space<hbm>> -> memref<128x32xf32, #tpu.memory_space<hbm>>
        %dma_start3A_168 = arith.constant 0 : i32
        %dma_start3A_169 = arith.constant 0 : i32
        %dma_start3A_170 = tpu.memref_slice %arg6[%run_scoped3A_97, %dma_start3A_168, %dma_start3A_169] : memref<4x128x32xf32, #tpu.memory_space<vmem>> -> memref<1x128x32xf32, #tpu.memory_space<vmem>>
        %dma_start3A_171 = tpu.memref_squeeze %dma_start3A_170 : memref<1x128x32xf32, #tpu.memory_space<vmem>> -> memref<128x32xf32, #tpu.memory_space<vmem>>
        tpu.enqueue_dma source(%dma_start3A_171 : memref<128x32xf32, #tpu.memory_space<vmem>>) target(%dma_start3A_167 : memref<128x32xf32, #tpu.memory_space<hbm>>) target_semaphore(%run_scoped3A_159 : memref<!tpu.dma_semaphore, #tpu.memory_space<semaphore_mem>>)
        %dma_wait3A_172 = arith.constant 0 : i32
        %dma_wait3A_173 = arith.constant 0 : i32
        %dma_wait3A_174 = tpu.memref_slice %arg6[%run_scoped3A_97, %dma_wait3A_172, %dma_wait3A_173] : memref<4x128x32xf32, #tpu.memory_space<vmem>> -> memref<1x128x32xf32, #tpu.memory_space<vmem>>
        %dma_wait3A_175 = tpu.memref_squeeze %dma_wait3A_174 : memref<1x128x32xf32, #tpu.memory_space<vmem>> -> memref<128x32xf32, #tpu.memory_space<vmem>>
        %dma_wait3A_176 = arith.constant 32 : i32
        %dma_wait3A_177 = tpu.memref_slice %arg4[%add3A_96, %dma_wait3A_176] : memref<204800x128xf32, #tpu.memory_space<hbm>> -> memref<128x32xf32, #tpu.memory_space<hbm>>
        %dma_wait3A_178 = arith.constant 32 : i32
        %dma_wait3A_179 = tpu.memref_slice %arg4[%add3A_96, %dma_wait3A_178] : memref<204800x128xf32, #tpu.memory_space<hbm>> -> memref<128x32xf32, #tpu.memory_space<hbm>>
        %dma_wait3A_180 = arith.constant 0 : i32
        %dma_wait3A_181 = arith.constant 0 : i32
        %dma_wait3A_182 = tpu.memref_slice %arg6[%run_scoped3A_97, %dma_wait3A_180, %dma_wait3A_181] : memref<4x128x32xf32, #tpu.memory_space<vmem>> -> memref<1x128x32xf32, #tpu.memory_space<vmem>>
        %dma_wait3A_183 = tpu.memref_squeeze %dma_wait3A_182 : memref<1x128x32xf32, #tpu.memory_space<vmem>> -> memref<128x32xf32, #tpu.memory_space<vmem>>
        tpu.wait_dma2 semaphore(%run_scoped3A_159 : memref<!tpu.dma_semaphore, #tpu.memory_space<semaphore_mem>>) src(%dma_wait3A_183 : memref<128x32xf32, #tpu.memory_space<vmem>>) dst(%dma_wait3A_179 : memref<128x32xf32, #tpu.memory_space<hbm>>)
        tpu.yield
      }) : () -> ()
      %add3A_98 = arith.constant 4 : i32
      %add3A_99 = arith.addi %add3A_81, %add3A_98 : i32
      %lt3A_100 = arith.constant 200 : i32
      %lt3A_101 = arith.cmpi slt, %add3A_99, %lt3A_100 : i32
      %convert_element_type3A_102 = arith.extui %lt3A_101 : i1 to i32
      %cond3A_103 = arith.constant 0 : i32
      %cond3A_104 = arith.cmpi ne, %convert_element_type3A_102, %cond3A_103 : i32
      scf.if %cond3A_104 {
        %add3A_159 = arith.constant 4 : i32
        %add3A_160 = arith.addi %add3A_81, %add3A_159 : i32
        %dma_start3A_161 = arith.constant 1 : i32
        %dma_start3A_162 = arith.constant 0 : i32
        %dma_start3A_163 = arith.constant 0 : i32
        %dma_start3A_164 = tpu.memref_slice %arg6[%dma_start3A_161, %dma_start3A_162, %dma_start3A_163] : memref<4x128x32xf32, #tpu.memory_space<vmem>> -> memref<1x128x32xf32, #tpu.memory_space<vmem>>
        %dma_start3A_165 = tpu.memref_squeeze %dma_start3A_164 : memref<1x128x32xf32, #tpu.memory_space<vmem>> -> memref<128x32xf32, #tpu.memory_space<vmem>>
        %dma_start3A_166 = arith.constant 0 : i32
        %dma_start3A_167 = tpu.memref_slice %arg5[%add3A_160, %dma_start3A_166] : memref<200x128xi32, #tpu.memory_space<vmem>> -> memref<1x128xi32, #tpu.memory_space<vmem>>
        %dma_start3A_168 = tpu.memref_squeeze %dma_start3A_167 : memref<1x128xi32, #tpu.memory_space<vmem>> -> memref<128xi32, #tpu.memory_space<vmem>>
        %dma_start3A_169 = arith.constant 0 : i32
        %dma_start3A_170 = arith.constant 0 : i32
        %dma_start3A_171 = tpu.memref_slice %arg2[%dma_start3A_169, %dma_start3A_170] : memref<1000000x32xf32, #tpu.memory_space<hbm>> -> memref<1000000x32xf32, #tpu.memory_space<hbm>>
        tpu.enqueue_indirect_dma source(%dma_start3A_171 : memref<1000000x32xf32, #tpu.memory_space<hbm>>) target(%dma_start3A_165 : memref<128x32xf32, #tpu.memory_space<vmem>>) offsets(%dma_start3A_168 : memref<128xi32, #tpu.memory_space<vmem>>) semaphore(%arg7 : memref<!tpu.dma_semaphore, #tpu.memory_space<semaphore_mem>>)
      } else {
      }
      %mul3A_105 = arith.constant 4 : i32
      %mul3A_106 = arith.muli %scan3A_55, %mul3A_105 : i32
      %add3A_107 = arith.constant 2 : i32
      %add3A_108 = arith.addi %mul3A_106, %add3A_107 : i32
      %dma_wait3A_109 = arith.constant 0 : i32
      %dma_wait3A_110 = arith.constant 2 : i32
      %dma_wait3A_111 = arith.constant 0 : i32
      %dma_wait3A_112 = arith.constant 0 : i32
      %dma_wait3A_113 = tpu.memref_slice %arg6[%dma_wait3A_110, %dma_wait3A_111, %dma_wait3A_112] : memref<4x128x32xf32, #tpu.memory_space<vmem>> -> memref<1x128x32xf32, #tpu.memory_space<vmem>>
      %dma_wait3A_114 = tpu.memref_squeeze %dma_wait3A_113 : memref<1x128x32xf32, #tpu.memory_space<vmem>> -> memref<128x32xf32, #tpu.memory_space<vmem>>
      %dma_wait3A_115 = arith.constant 0 : i32
      %dma_wait3A_116 = tpu.memref_slice %arg5[%dma_wait3A_109, %dma_wait3A_115] : memref<200x128xi32, #tpu.memory_space<vmem>> -> memref<1x128xi32, #tpu.memory_space<vmem>>
      %dma_wait3A_117 = tpu.memref_squeeze %dma_wait3A_116 : memref<1x128xi32, #tpu.memory_space<vmem>> -> memref<128xi32, #tpu.memory_space<vmem>>
      %dma_wait3A_118 = arith.constant 0 : i32
      %dma_wait3A_119 = arith.constant 0 : i32
      %dma_wait3A_120 = tpu.memref_slice %arg2[%dma_wait3A_118, %dma_wait3A_119] : memref<1000000x32xf32, #tpu.memory_space<hbm>> -> memref<1000000x32xf32, #tpu.memory_space<hbm>>
      tpu.wait_indirect_dma semaphore(%arg7 : memref<!tpu.dma_semaphore, #tpu.memory_space<semaphore_mem>>) src(%dma_wait3A_120 : memref<1000000x32xf32, #tpu.memory_space<hbm>>) dst(%dma_wait3A_114 : memref<128x32xf32, #tpu.memory_space<vmem>>)
      %mul3A_121 = arith.constant 4096 : i32
      %mul3A_122 = arith.muli %scan3A_55, %mul3A_121 : i32
      %add3A_123 = arith.addi %mul3A_122, %mul3A_2 : i32
      %run_scoped3A_124 = arith.constant 2 : i32
      "tpu.region"() ({
        %run_scoped3A_159 = tpu.sem_alloc : memref<!tpu.dma_semaphore, #tpu.memory_space<semaphore_mem>>
        %dma_start3A_160 = arith.constant 0 : i32
        %dma_start3A_161 = arith.constant 0 : i32
        %dma_start3A_162 = tpu.memref_slice %arg6[%run_scoped3A_124, %dma_start3A_160, %dma_start3A_161] : memref<4x128x32xf32, #tpu.memory_space<vmem>> -> memref<1x128x32xf32, #tpu.memory_space<vmem>>
        %dma_start3A_163 = tpu.memref_squeeze %dma_start3A_162 : memref<1x128x32xf32, #tpu.memory_space<vmem>> -> memref<128x32xf32, #tpu.memory_space<vmem>>
        %dma_start3A_164 = arith.constant 64 : i32
        %dma_start3A_165 = tpu.memref_slice %arg4[%add3A_123, %dma_start3A_164] : memref<204800x128xf32, #tpu.memory_space<hbm>> -> memref<128x32xf32, #tpu.memory_space<hbm>>
        %dma_start3A_166 = arith.constant 64 : i32
        %dma_start3A_167 = tpu.memref_slice %arg4[%add3A_123, %dma_start3A_166] : memref<204800x128xf32, #tpu.memory_space<hbm>> -> memref<128x32xf32, #tpu.memory_space<hbm>>
        %dma_start3A_168 = arith.constant 0 : i32
        %dma_start3A_169 = arith.constant 0 : i32
        %dma_start3A_170 = tpu.memref_slice %arg6[%run_scoped3A_124, %dma_start3A_168, %dma_start3A_169] : memref<4x128x32xf32, #tpu.memory_space<vmem>> -> memref<1x128x32xf32, #tpu.memory_space<vmem>>
        %dma_start3A_171 = tpu.memref_squeeze %dma_start3A_170 : memref<1x128x32xf32, #tpu.memory_space<vmem>> -> memref<128x32xf32, #tpu.memory_space<vmem>>
        tpu.enqueue_dma source(%dma_start3A_171 : memref<128x32xf32, #tpu.memory_space<vmem>>) target(%dma_start3A_167 : memref<128x32xf32, #tpu.memory_space<hbm>>) target_semaphore(%run_scoped3A_159 : memref<!tpu.dma_semaphore, #tpu.memory_space<semaphore_mem>>)
        %dma_wait3A_172 = arith.constant 0 : i32
        %dma_wait3A_173 = arith.constant 0 : i32
        %dma_wait3A_174 = tpu.memref_slice %arg6[%run_scoped3A_124, %dma_wait3A_172, %dma_wait3A_173] : memref<4x128x32xf32, #tpu.memory_space<vmem>> -> memref<1x128x32xf32, #tpu.memory_space<vmem>>
        %dma_wait3A_175 = tpu.memref_squeeze %dma_wait3A_174 : memref<1x128x32xf32, #tpu.memory_space<vmem>> -> memref<128x32xf32, #tpu.memory_space<vmem>>
        %dma_wait3A_176 = arith.constant 64 : i32
        %dma_wait3A_177 = tpu.memref_slice %arg4[%add3A_123, %dma_wait3A_176] : memref<204800x128xf32, #tpu.memory_space<hbm>> -> memref<128x32xf32, #tpu.memory_space<hbm>>
        %dma_wait3A_178 = arith.constant 64 : i32
        %dma_wait3A_179 = tpu.memref_slice %arg4[%add3A_123, %dma_wait3A_178] : memref<204800x128xf32, #tpu.memory_space<hbm>> -> memref<128x32xf32, #tpu.memory_space<hbm>>
        %dma_wait3A_180 = arith.constant 0 : i32
        %dma_wait3A_181 = arith.constant 0 : i32
        %dma_wait3A_182 = tpu.memref_slice %arg6[%run_scoped3A_124, %dma_wait3A_180, %dma_wait3A_181] : memref<4x128x32xf32, #tpu.memory_space<vmem>> -> memref<1x128x32xf32, #tpu.memory_space<vmem>>
        %dma_wait3A_183 = tpu.memref_squeeze %dma_wait3A_182 : memref<1x128x32xf32, #tpu.memory_space<vmem>> -> memref<128x32xf32, #tpu.memory_space<vmem>>
        tpu.wait_dma2 semaphore(%run_scoped3A_159 : memref<!tpu.dma_semaphore, #tpu.memory_space<semaphore_mem>>) src(%dma_wait3A_183 : memref<128x32xf32, #tpu.memory_space<vmem>>) dst(%dma_wait3A_179 : memref<128x32xf32, #tpu.memory_space<hbm>>)
        tpu.yield
      }) : () -> ()
      %add3A_125 = arith.constant 4 : i32
      %add3A_126 = arith.addi %add3A_108, %add3A_125 : i32
      %lt3A_127 = arith.constant 200 : i32
      %lt3A_128 = arith.cmpi slt, %add3A_126, %lt3A_127 : i32
      %convert_element_type3A_129 = arith.extui %lt3A_128 : i1 to i32
      %cond3A_130 = arith.constant 0 : i32
      %cond3A_131 = arith.cmpi ne, %convert_element_type3A_129, %cond3A_130 : i32
      scf.if %cond3A_131 {
        %add3A_159 = arith.constant 4 : i32
        %add3A_160 = arith.addi %add3A_108, %add3A_159 : i32
        %dma_start3A_161 = arith.constant 2 : i32
        %dma_start3A_162 = arith.constant 0 : i32
        %dma_start3A_163 = arith.constant 0 : i32
        %dma_start3A_164 = tpu.memref_slice %arg6[%dma_start3A_161, %dma_start3A_162, %dma_start3A_163] : memref<4x128x32xf32, #tpu.memory_space<vmem>> -> memref<1x128x32xf32, #tpu.memory_space<vmem>>
        %dma_start3A_165 = tpu.memref_squeeze %dma_start3A_164 : memref<1x128x32xf32, #tpu.memory_space<vmem>> -> memref<128x32xf32, #tpu.memory_space<vmem>>
        %dma_start3A_166 = arith.constant 0 : i32
        %dma_start3A_167 = tpu.memref_slice %arg5[%add3A_160, %dma_start3A_166] : memref<200x128xi32, #tpu.memory_space<vmem>> -> memref<1x128xi32, #tpu.memory_space<vmem>>
        %dma_start3A_168 = tpu.memref_squeeze %dma_start3A_167 : memref<1x128xi32, #tpu.memory_space<vmem>> -> memref<128xi32, #tpu.memory_space<vmem>>
        %dma_start3A_169 = arith.constant 0 : i32
        %dma_start3A_170 = arith.constant 0 : i32
        %dma_start3A_171 = tpu.memref_slice %arg2[%dma_start3A_169, %dma_start3A_170] : memref<1000000x32xf32, #tpu.memory_space<hbm>> -> memref<1000000x32xf32, #tpu.memory_space<hbm>>
        tpu.enqueue_indirect_dma source(%dma_start3A_171 : memref<1000000x32xf32, #tpu.memory_space<hbm>>) target(%dma_start3A_165 : memref<128x32xf32, #tpu.memory_space<vmem>>) offsets(%dma_start3A_168 : memref<128xi32, #tpu.memory_space<vmem>>) semaphore(%arg7 : memref<!tpu.dma_semaphore, #tpu.memory_space<semaphore_mem>>)
      } else {
      }
      %mul3A_132 = arith.constant 4 : i32
      %mul3A_133 = arith.muli %scan3A_55, %mul3A_132 : i32
      %add3A_134 = arith.constant 3 : i32
      %add3A_135 = arith.addi %mul3A_133, %add3A_134 : i32
      %dma_wait3A_136 = arith.constant 0 : i32
      %dma_wait3A_137 = arith.constant 3 : i32
      %dma_wait3A_138 = arith.constant 0 : i32
      %dma_wait3A_139 = arith.constant 0 : i32
      %dma_wait3A_140 = tpu.memref_slice %arg6[%dma_wait3A_137, %dma_wait3A_138, %dma_wait3A_139] : memref<4x128x32xf32, #tpu.memory_space<vmem>> -> memref<1x128x32xf32, #tpu.memory_space<vmem>>
      %dma_wait3A_141 = tpu.memref_squeeze %dma_wait3A_140 : memref<1x128x32xf32, #tpu.memory_space<vmem>> -> memref<128x32xf32, #tpu.memory_space<vmem>>
      %dma_wait3A_142 = arith.constant 0 : i32
      %dma_wait3A_143 = tpu.memref_slice %arg5[%dma_wait3A_136, %dma_wait3A_142] : memref<200x128xi32, #tpu.memory_space<vmem>> -> memref<1x128xi32, #tpu.memory_space<vmem>>
      %dma_wait3A_144 = tpu.memref_squeeze %dma_wait3A_143 : memref<1x128xi32, #tpu.memory_space<vmem>> -> memref<128xi32, #tpu.memory_space<vmem>>
      %dma_wait3A_145 = arith.constant 0 : i32
      %dma_wait3A_146 = arith.constant 0 : i32
      %dma_wait3A_147 = tpu.memref_slice %arg2[%dma_wait3A_145, %dma_wait3A_146] : memref<1000000x32xf32, #tpu.memory_space<hbm>> -> memref<1000000x32xf32, #tpu.memory_space<hbm>>
      tpu.wait_indirect_dma semaphore(%arg7 : memref<!tpu.dma_semaphore, #tpu.memory_space<semaphore_mem>>) src(%dma_wait3A_147 : memref<1000000x32xf32, #tpu.memory_space<hbm>>) dst(%dma_wait3A_141 : memref<128x32xf32, #tpu.memory_space<vmem>>)
      %mul3A_148 = arith.constant 4096 : i32
      %mul3A_149 = arith.muli %scan3A_55, %mul3A_148 : i32
      %add3A_150 = arith.addi %mul3A_149, %mul3A_2 : i32
      %run_scoped3A_151 = arith.constant 3 : i32
      "tpu.region"() ({
        %run_scoped3A_159 = tpu.sem_alloc : memref<!tpu.dma_semaphore, #tpu.memory_space<semaphore_mem>>
        %dma_start3A_160 = arith.constant 0 : i32
        %dma_start3A_161 = arith.constant 0 : i32
        %dma_start3A_162 = tpu.memref_slice %arg6[%run_scoped3A_151, %dma_start3A_160, %dma_start3A_161] : memref<4x128x32xf32, #tpu.memory_space<vmem>> -> memref<1x128x32xf32, #tpu.memory_space<vmem>>
        %dma_start3A_163 = tpu.memref_squeeze %dma_start3A_162 : memref<1x128x32xf32, #tpu.memory_space<vmem>> -> memref<128x32xf32, #tpu.memory_space<vmem>>
        %dma_start3A_164 = arith.constant 96 : i32
        %dma_start3A_165 = tpu.memref_slice %arg4[%add3A_150, %dma_start3A_164] : memref<204800x128xf32, #tpu.memory_space<hbm>> -> memref<128x32xf32, #tpu.memory_space<hbm>>
        %dma_start3A_166 = arith.constant 96 : i32
        %dma_start3A_167 = tpu.memref_slice %arg4[%add3A_150, %dma_start3A_166] : memref<204800x128xf32, #tpu.memory_space<hbm>> -> memref<128x32xf32, #tpu.memory_space<hbm>>
        %dma_start3A_168 = arith.constant 0 : i32
        %dma_start3A_169 = arith.constant 0 : i32
        %dma_start3A_170 = tpu.memref_slice %arg6[%run_scoped3A_151, %dma_start3A_168, %dma_start3A_169] : memref<4x128x32xf32, #tpu.memory_space<vmem>> -> memref<1x128x32xf32, #tpu.memory_space<vmem>>
        %dma_start3A_171 = tpu.memref_squeeze %dma_start3A_170 : memref<1x128x32xf32, #tpu.memory_space<vmem>> -> memref<128x32xf32, #tpu.memory_space<vmem>>
        tpu.enqueue_dma source(%dma_start3A_171 : memref<128x32xf32, #tpu.memory_space<vmem>>) target(%dma_start3A_167 : memref<128x32xf32, #tpu.memory_space<hbm>>) target_semaphore(%run_scoped3A_159 : memref<!tpu.dma_semaphore, #tpu.memory_space<semaphore_mem>>)
        %dma_wait3A_172 = arith.constant 0 : i32
        %dma_wait3A_173 = arith.constant 0 : i32
        %dma_wait3A_174 = tpu.memref_slice %arg6[%run_scoped3A_151, %dma_wait3A_172, %dma_wait3A_173] : memref<4x128x32xf32, #tpu.memory_space<vmem>> -> memref<1x128x32xf32, #tpu.memory_space<vmem>>
        %dma_wait3A_175 = tpu.memref_squeeze %dma_wait3A_174 : memref<1x128x32xf32, #tpu.memory_space<vmem>> -> memref<128x32xf32, #tpu.memory_space<vmem>>
        %dma_wait3A_176 = arith.constant 96 : i32
        %dma_wait3A_177 = tpu.memref_slice %arg4[%add3A_150, %dma_wait3A_176] : memref<204800x128xf32, #tpu.memory_space<hbm>> -> memref<128x32xf32, #tpu.memory_space<hbm>>
        %dma_wait3A_178 = arith.constant 96 : i32
        %dma_wait3A_179 = tpu.memref_slice %arg4[%add3A_150, %dma_wait3A_178] : memref<204800x128xf32, #tpu.memory_space<hbm>> -> memref<128x32xf32, #tpu.memory_space<hbm>>
        %dma_wait3A_180 = arith.constant 0 : i32
        %dma_wait3A_181 = arith.constant 0 : i32
        %dma_wait3A_182 = tpu.memref_slice %arg6[%run_scoped3A_151, %dma_wait3A_180, %dma_wait3A_181] : memref<4x128x32xf32, #tpu.memory_space<vmem>> -> memref<1x128x32xf32, #tpu.memory_space<vmem>>
        %dma_wait3A_183 = tpu.memref_squeeze %dma_wait3A_182 : memref<1x128x32xf32, #tpu.memory_space<vmem>> -> memref<128x32xf32, #tpu.memory_space<vmem>>
        tpu.wait_dma2 semaphore(%run_scoped3A_159 : memref<!tpu.dma_semaphore, #tpu.memory_space<semaphore_mem>>) src(%dma_wait3A_183 : memref<128x32xf32, #tpu.memory_space<vmem>>) dst(%dma_wait3A_179 : memref<128x32xf32, #tpu.memory_space<hbm>>)
        tpu.yield
      }) : () -> ()
      %add3A_152 = arith.constant 4 : i32
      %add3A_153 = arith.addi %add3A_135, %add3A_152 : i32
      %lt3A_154 = arith.constant 200 : i32
      %lt3A_155 = arith.cmpi slt, %add3A_153, %lt3A_154 : i32
      %convert_element_type3A_156 = arith.extui %lt3A_155 : i1 to i32
      %cond3A_157 = arith.constant 0 : i32
      %cond3A_158 = arith.cmpi ne, %convert_element_type3A_156, %cond3A_157 : i32
      scf.if %cond3A_158 {
        %add3A_159 = arith.constant 4 : i32
        %add3A_160 = arith.addi %add3A_135, %add3A_159 : i32
        %dma_start3A_161 = arith.constant 3 : i32
        %dma_start3A_162 = arith.constant 0 : i32
        %dma_start3A_163 = arith.constant 0 : i32
        %dma_start3A_164 = tpu.memref_slice %arg6[%dma_start3A_161, %dma_start3A_162, %dma_start3A_163] : memref<4x128x32xf32, #tpu.memory_space<vmem>> -> memref<1x128x32xf32, #tpu.memory_space<vmem>>
        %dma_start3A_165 = tpu.memref_squeeze %dma_start3A_164 : memref<1x128x32xf32, #tpu.memory_space<vmem>> -> memref<128x32xf32, #tpu.memory_space<vmem>>
        %dma_start3A_166 = arith.constant 0 : i32
        %dma_start3A_167 = tpu.memref_slice %arg5[%add3A_160, %dma_start3A_166] : memref<200x128xi32, #tpu.memory_space<vmem>> -> memref<1x128xi32, #tpu.memory_space<vmem>>
        %dma_start3A_168 = tpu.memref_squeeze %dma_start3A_167 : memref<1x128xi32, #tpu.memory_space<vmem>> -> memref<128xi32, #tpu.memory_space<vmem>>
        %dma_start3A_169 = arith.constant 0 : i32
        %dma_start3A_170 = arith.constant 0 : i32
        %dma_start3A_171 = tpu.memref_slice %arg2[%dma_start3A_169, %dma_start3A_170] : memref<1000000x32xf32, #tpu.memory_space<hbm>> -> memref<1000000x32xf32, #tpu.memory_space<hbm>>
        tpu.enqueue_indirect_dma source(%dma_start3A_171 : memref<1000000x32xf32, #tpu.memory_space<hbm>>) target(%dma_start3A_165 : memref<128x32xf32, #tpu.memory_space<vmem>>) offsets(%dma_start3A_168 : memref<128xi32, #tpu.memory_space<vmem>>) semaphore(%arg7 : memref<!tpu.dma_semaphore, #tpu.memory_space<semaphore_mem>>)
      } else {
      }
    }
    %scan3A_54 = arith.constant 50 : i32
    return
  }
}

module attributes {stable_mosaic.version = 14 : i64} {
  func.func @_tc_repack_kernel(%arg0: i32, %arg1: memref<512x512xf32, #tpu.memory_space<vmem>>, %arg2: memref<32x2048xf32, #tpu.memory_space<vmem>>, %arg3: memref<512x128xf32, #tpu.memory_space<vmem>>) attributes {dimension_semantics = [#tpu.dimension_semantics<arbitrary>], iteration_bounds = array<i64: 489>, scalar_prefetch = 0 : i64, scratch_operands = 0 : i64, tpu.core_type = #tpu.core_type<tc>, window_params = [{pipeline_mode = #tpu.pipeline_mode<synchronous>, transform_indices = @transform_0, window_bounds = array<i64: 512, 512>}, {transform_indices = @transform_1, window_bounds = array<i64: 32, 2048>}, {transform_indices = @transform_2, window_bounds = array<i64: 512, 128>}]} {
    %get3A = arith.constant 0 : index
    %get3A_0 = arith.constant 0 : index
    %get3A_1 = vector.load %arg1[%get3A, %get3A_0] : memref<512x512xf32, #tpu.memory_space<vmem>>, vector<512x512xf32>
    %get3A_2 = arith.constant 0 : index
    %get3A_3 = arith.constant 0 : index
    %get3A_4 = vector.load %arg2[%get3A_2, %get3A_3] : memref<32x2048xf32, #tpu.memory_space<vmem>>, vector<32x512xf32>
    %dot_general3A = arith.constant dense<0.000000e+00> : vector<512x32xf32>
    %dot_general3A_5 = tpu.matmul %get3A_1, %get3A_4, %dot_general3A {dimension_numbers = #tpu.dot_dimension_numbers<[1], [1], [0], [0], [0, 0, 1, 0], [], []>, transpose_lhs_hint = false} : vector<512x512xf32>, vector<32x512xf32>, vector<512x32xf32> -> vector<512x32xf32>
    %slice3A = vector.extract_strided_slice %dot_general3A_5 {offsets = [0, 0], sizes = [128, 32], strides = [1, 1]} : vector<512x32xf32> to vector<128x32xf32>
    %swap3A = arith.constant 0 : index
    %swap3A_6 = arith.constant 0 : index
    %swap3A_7 = vector.load %arg3[%swap3A, %swap3A_6] : memref<512x128xf32, #tpu.memory_space<vmem>>, vector<128x32xf32>
    tpu.vector_store %arg3[%swap3A, %swap3A_6], %slice3A {strides = array<i32>} : memref<512x128xf32, #tpu.memory_space<vmem>>, vector<128x32xf32>,
    %slice3A_8 = vector.extract_strided_slice %dot_general3A_5 {offsets = [128, 0], sizes = [128, 32], strides = [1, 1]} : vector<512x32xf32> to vector<128x32xf32>
    %swap3A_9 = arith.constant 0 : index
    %swap3A_10 = arith.constant 32 : index
    %swap3A_11 = vector.load %arg3[%swap3A_9, %swap3A_10] : memref<512x128xf32, #tpu.memory_space<vmem>>, vector<128x32xf32>
    tpu.vector_store %arg3[%swap3A_9, %swap3A_10], %slice3A_8 {strides = array<i32>} : memref<512x128xf32, #tpu.memory_space<vmem>>, vector<128x32xf32>,
    %slice3A_12 = vector.extract_strided_slice %dot_general3A_5 {offsets = [256, 0], sizes = [128, 32], strides = [1, 1]} : vector<512x32xf32> to vector<128x32xf32>
    %swap3A_13 = arith.constant 0 : index
    %swap3A_14 = arith.constant 64 : index
    %swap3A_15 = vector.load %arg3[%swap3A_13, %swap3A_14] : memref<512x128xf32, #tpu.memory_space<vmem>>, vector<128x32xf32>
    tpu.vector_store %arg3[%swap3A_13, %swap3A_14], %slice3A_12 {strides = array<i32>} : memref<512x128xf32, #tpu.memory_space<vmem>>, vector<128x32xf32>,
    %slice3A_16 = vector.extract_strided_slice %dot_general3A_5 {offsets = [384, 0], sizes = [128, 32], strides = [1, 1]} : vector<512x32xf32> to vector<128x32xf32>
    %swap3A_17 = arith.constant 0 : index
    %swap3A_18 = arith.constant 96 : index
    %swap3A_19 = vector.load %arg3[%swap3A_17, %swap3A_18] : memref<512x128xf32, #tpu.memory_space<vmem>>, vector<128x32xf32>
    tpu.vector_store %arg3[%swap3A_17, %swap3A_18], %slice3A_16 {strides = array<i32>} : memref<512x128xf32, #tpu.memory_space<vmem>>, vector<128x32xf32>,
    %get3A_20 = arith.constant 0 : index
    %get3A_21 = arith.constant 512 : index
    %get3A_22 = vector.load %arg2[%get3A_20, %get3A_21] : memref<32x2048xf32, #tpu.memory_space<vmem>>, vector<32x512xf32>
    %dot_general3A_23 = arith.constant dense<0.000000e+00> : vector<512x32xf32>
    %dot_general3A_24 = tpu.matmul %get3A_1, %get3A_22, %dot_general3A_23 {dimension_numbers = #tpu.dot_dimension_numbers<[1], [1], [0], [0], [0, 0, 1, 0], [], []>, transpose_lhs_hint = false} : vector<512x512xf32>, vector<32x512xf32>, vector<512x32xf32> -> vector<512x32xf32>
    %slice3A_25 = vector.extract_strided_slice %dot_general3A_24 {offsets = [0, 0], sizes = [128, 32], strides = [1, 1]} : vector<512x32xf32> to vector<128x32xf32>
    %swap3A_26 = arith.constant 128 : index
    %swap3A_27 = arith.constant 0 : index
    %swap3A_28 = vector.load %arg3[%swap3A_26, %swap3A_27] : memref<512x128xf32, #tpu.memory_space<vmem>>, vector<128x32xf32>
    tpu.vector_store %arg3[%swap3A_26, %swap3A_27], %slice3A_25 {strides = array<i32>} : memref<512x128xf32, #tpu.memory_space<vmem>>, vector<128x32xf32>,
    %slice3A_29 = vector.extract_strided_slice %dot_general3A_24 {offsets = [128, 0], sizes = [128, 32], strides = [1, 1]} : vector<512x32xf32> to vector<128x32xf32>
    %swap3A_30 = arith.constant 128 : index
    %swap3A_31 = arith.constant 32 : index
    %swap3A_32 = vector.load %arg3[%swap3A_30, %swap3A_31] : memref<512x128xf32, #tpu.memory_space<vmem>>, vector<128x32xf32>
    tpu.vector_store %arg3[%swap3A_30, %swap3A_31], %slice3A_29 {strides = array<i32>} : memref<512x128xf32, #tpu.memory_space<vmem>>, vector<128x32xf32>,
    %slice3A_33 = vector.extract_strided_slice %dot_general3A_24 {offsets = [256, 0], sizes = [128, 32], strides = [1, 1]} : vector<512x32xf32> to vector<128x32xf32>
    %swap3A_34 = arith.constant 128 : index
    %swap3A_35 = arith.constant 64 : index
    %swap3A_36 = vector.load %arg3[%swap3A_34, %swap3A_35] : memref<512x128xf32, #tpu.memory_space<vmem>>, vector<128x32xf32>
    tpu.vector_store %arg3[%swap3A_34, %swap3A_35], %slice3A_33 {strides = array<i32>} : memref<512x128xf32, #tpu.memory_space<vmem>>, vector<128x32xf32>,
    %slice3A_37 = vector.extract_strided_slice %dot_general3A_24 {offsets = [384, 0], sizes = [128, 32], strides = [1, 1]} : vector<512x32xf32> to vector<128x32xf32>
    %swap3A_38 = arith.constant 128 : index
    %swap3A_39 = arith.constant 96 : index
    %swap3A_40 = vector.load %arg3[%swap3A_38, %swap3A_39] : memref<512x128xf32, #tpu.memory_space<vmem>>, vector<128x32xf32>
    tpu.vector_store %arg3[%swap3A_38, %swap3A_39], %slice3A_37 {strides = array<i32>} : memref<512x128xf32, #tpu.memory_space<vmem>>, vector<128x32xf32>,
    %get3A_41 = arith.constant 0 : index
    %get3A_42 = arith.constant 1024 : index
    %get3A_43 = vector.load %arg2[%get3A_41, %get3A_42] : memref<32x2048xf32, #tpu.memory_space<vmem>>, vector<32x512xf32>
    %dot_general3A_44 = arith.constant dense<0.000000e+00> : vector<512x32xf32>
    %dot_general3A_45 = tpu.matmul %get3A_1, %get3A_43, %dot_general3A_44 {dimension_numbers = #tpu.dot_dimension_numbers<[1], [1], [0], [0], [0, 0, 1, 0], [], []>, transpose_lhs_hint = false} : vector<512x512xf32>, vector<32x512xf32>, vector<512x32xf32> -> vector<512x32xf32>
    %slice3A_46 = vector.extract_strided_slice %dot_general3A_45 {offsets = [0, 0], sizes = [128, 32], strides = [1, 1]} : vector<512x32xf32> to vector<128x32xf32>
    %swap3A_47 = arith.constant 256 : index
    %swap3A_48 = arith.constant 0 : index
    %swap3A_49 = vector.load %arg3[%swap3A_47, %swap3A_48] : memref<512x128xf32, #tpu.memory_space<vmem>>, vector<128x32xf32>
    tpu.vector_store %arg3[%swap3A_47, %swap3A_48], %slice3A_46 {strides = array<i32>} : memref<512x128xf32, #tpu.memory_space<vmem>>, vector<128x32xf32>,
    %slice3A_50 = vector.extract_strided_slice %dot_general3A_45 {offsets = [128, 0], sizes = [128, 32], strides = [1, 1]} : vector<512x32xf32> to vector<128x32xf32>
    %swap3A_51 = arith.constant 256 : index
    %swap3A_52 = arith.constant 32 : index
    %swap3A_53 = vector.load %arg3[%swap3A_51, %swap3A_52] : memref<512x128xf32, #tpu.memory_space<vmem>>, vector<128x32xf32>
    tpu.vector_store %arg3[%swap3A_51, %swap3A_52], %slice3A_50 {strides = array<i32>} : memref<512x128xf32, #tpu.memory_space<vmem>>, vector<128x32xf32>,
    %slice3A_54 = vector.extract_strided_slice %dot_general3A_45 {offsets = [256, 0], sizes = [128, 32], strides = [1, 1]} : vector<512x32xf32> to vector<128x32xf32>
    %swap3A_55 = arith.constant 256 : index
    %swap3A_56 = arith.constant 64 : index
    %swap3A_57 = vector.load %arg3[%swap3A_55, %swap3A_56] : memref<512x128xf32, #tpu.memory_space<vmem>>, vector<128x32xf32>
    tpu.vector_store %arg3[%swap3A_55, %swap3A_56], %slice3A_54 {strides = array<i32>} : memref<512x128xf32, #tpu.memory_space<vmem>>, vector<128x32xf32>,
    %slice3A_58 = vector.extract_strided_slice %dot_general3A_45 {offsets = [384, 0], sizes = [128, 32], strides = [1, 1]} : vector<512x32xf32> to vector<128x32xf32>
    %swap3A_59 = arith.constant 256 : index
    %swap3A_60 = arith.constant 96 : index
    %swap3A_61 = vector.load %arg3[%swap3A_59, %swap3A_60] : memref<512x128xf32, #tpu.memory_space<vmem>>, vector<128x32xf32>
    tpu.vector_store %arg3[%swap3A_59, %swap3A_60], %slice3A_58 {strides = array<i32>} : memref<512x128xf32, #tpu.memory_space<vmem>>, vector<128x32xf32>,
    %get3A_62 = arith.constant 0 : index
    %get3A_63 = arith.constant 1536 : index
    %get3A_64 = vector.load %arg2[%get3A_62, %get3A_63] : memref<32x2048xf32, #tpu.memory_space<vmem>>, vector<32x512xf32>
    %dot_general3A_65 = arith.constant dense<0.000000e+00> : vector<512x32xf32>
    %dot_general3A_66 = tpu.matmul %get3A_1, %get3A_64, %dot_general3A_65 {dimension_numbers = #tpu.dot_dimension_numbers<[1], [1], [0], [0], [0, 0, 1, 0], [], []>, transpose_lhs_hint = false} : vector<512x512xf32>, vector<32x512xf32>, vector<512x32xf32> -> vector<512x32xf32>
    %slice3A_67 = vector.extract_strided_slice %dot_general3A_66 {offsets = [0, 0], sizes = [128, 32], strides = [1, 1]} : vector<512x32xf32> to vector<128x32xf32>
    %swap3A_68 = arith.constant 384 : index
    %swap3A_69 = arith.constant 0 : index
    %swap3A_70 = vector.load %arg3[%swap3A_68, %swap3A_69] : memref<512x128xf32, #tpu.memory_space<vmem>>, vector<128x32xf32>
    tpu.vector_store %arg3[%swap3A_68, %swap3A_69], %slice3A_67 {strides = array<i32>} : memref<512x128xf32, #tpu.memory_space<vmem>>, vector<128x32xf32>,
    %slice3A_71 = vector.extract_strided_slice %dot_general3A_66 {offsets = [128, 0], sizes = [128, 32], strides = [1, 1]} : vector<512x32xf32> to vector<128x32xf32>
    %swap3A_72 = arith.constant 384 : index
    %swap3A_73 = arith.constant 32 : index
    %swap3A_74 = vector.load %arg3[%swap3A_72, %swap3A_73] : memref<512x128xf32, #tpu.memory_space<vmem>>, vector<128x32xf32>
    tpu.vector_store %arg3[%swap3A_72, %swap3A_73], %slice3A_71 {strides = array<i32>} : memref<512x128xf32, #tpu.memory_space<vmem>>, vector<128x32xf32>,
    %slice3A_75 = vector.extract_strided_slice %dot_general3A_66 {offsets = [256, 0], sizes = [128, 32], strides = [1, 1]} : vector<512x32xf32> to vector<128x32xf32>
    %swap3A_76 = arith.constant 384 : index
    %swap3A_77 = arith.constant 64 : index
    %swap3A_78 = vector.load %arg3[%swap3A_76, %swap3A_77] : memref<512x128xf32, #tpu.memory_space<vmem>>, vector<128x32xf32>
    tpu.vector_store %arg3[%swap3A_76, %swap3A_77], %slice3A_75 {strides = array<i32>} : memref<512x128xf32, #tpu.memory_space<vmem>>, vector<128x32xf32>,
    %slice3A_79 = vector.extract_strided_slice %dot_general3A_66 {offsets = [384, 0], sizes = [128, 32], strides = [1, 1]} : vector<512x32xf32> to vector<128x32xf32>
    %swap3A_80 = arith.constant 384 : index
    %swap3A_81 = arith.constant 96 : index
    %swap3A_82 = vector.load %arg3[%swap3A_80, %swap3A_81] : memref<512x128xf32, #tpu.memory_space<vmem>>, vector<128x32xf32>
    tpu.vector_store %arg3[%swap3A_80, %swap3A_81], %slice3A_79 {strides = array<i32>} : memref<512x128xf32, #tpu.memory_space<vmem>>, vector<128x32xf32>,
    return
  }
  func.func @transform_0(%arg0: i32) -> (i32, i32) {
    %c0_i32 = arith.constant 0 : i32
    %c0_i32_0 = arith.constant 0 : i32
    %c0_i32_1 = arith.constant 0 : i32
    return %c0_i32, %c0_i32_0 : i32, i32
  }
  func.func @transform_1(%arg0: i32) -> (i32, i32) {
    %c0_i32 = arith.constant 0 : i32
    %c0_i32_0 = arith.constant 0 : i32
    return %c0_i32, %arg0 : i32, i32
  }
  func.func @transform_2(%arg0: i32) -> (i32, i32) {
    %c0_i32 = arith.constant 0 : i32
    %c0_i32_0 = arith.constant 0 : i32
    return %arg0, %c0_i32 : i32, i32
  }
}

module attributes {stable_mosaic.version = 14 : i64} {
  func.func @_tc_out_transpose_kernel(%arg0: i32, %arg1: memref<4096x128xf32, #tpu.memory_space<vmem>>, %arg2: memref<128x4096xf32, #tpu.memory_space<vmem>>) attributes {dimension_semantics = [#tpu.dimension_semantics<arbitrary>], iteration_bounds = array<i64: 50>, scalar_prefetch = 0 : i64, scratch_operands = 0 : i64, tpu.core_type = #tpu.core_type<tc>, window_params = [{transform_indices = @transform_0, window_bounds = array<i64: 4096, 128>}, {transform_indices = @transform_1, window_bounds = array<i64: 128, 4096>}]} {
    %get3A = arith.constant 0 : index
    %get3A_0 = arith.constant 0 : index
    %get3A_1 = vector.load %arg1[%get3A, %get3A_0] : memref<4096x128xf32, #tpu.memory_space<vmem>>, vector<4096x128xf32>
    %transpose3A = tpu.transpose %get3A_1, [1, 0] : vector<4096x128xf32> -> vector<128x4096xf32>
    %swap3A = arith.constant 0 : index
    %swap3A_2 = arith.constant 0 : index
    %swap3A_3 = vector.load %arg2[%swap3A, %swap3A_2] : memref<128x4096xf32, #tpu.memory_space<vmem>>, vector<128x4096xf32>
    tpu.vector_store %arg2[%swap3A, %swap3A_2], %transpose3A {strides = array<i32>} : memref<128x4096xf32, #tpu.memory_space<vmem>>, vector<128x4096xf32>,
    return
  }
  func.func @transform_0(%arg0: i32) -> (i32, i32) {
    %c0_i32 = arith.constant 0 : i32
    %c0_i32_0 = arith.constant 0 : i32
    return %arg0, %c0_i32 : i32, i32
  }
  func.func @transform_1(%arg0: i32) -> (i32, i32) {
    %c0_i32 = arith.constant 0 : i32
    %c0_i32_0 = arith.constant 0 : i32
    return %arg0, %c0_i32 : i32, i32
  }
}

</mosaic_0001>

<sc_bundles>
// kernel: kernel.5.cloned.1.call-start
scs
__scs_entry_jumppad:
0x0: {  	(pc) =	sbr.rel $0x88, $3  }
0x1: {  	(tag) =	ssettag $0x0;
	lr =	simm.s32 $0x1  }
0x2: {  	[smem:$0x3F9F] =	sst lr;
	_ =	strace $0xD0000000  }
0x3: {  	_ = 	snop  }
0x4: {  	_ = 	snop  }
0x5: {  	_ = 	snop  }
0x6: {  	_ = 	snop  }
0x7: {  	_ = 	snop  }
__scs_overlays_trampoline_lowered:
0x8: {  	[smem:$0x3FAE] =	sst s0  }
0x9: {  	[smem:$0x3FAF] =	sst s1  }
0xa: {  	[smem:$0x3FB0] =	sst s2  }
0xb: {  	[smem:$0x3FB1] =	sst s3  }
0xc: {  	[smem:$0x3FB2] =	sst s4  }
0xd: {  	[smem:$0x3FB3] =	sst s5  }
0xe: {  	[smem:$0x3FB4] =	sst s6  }
0xf: {  	[smem:$0x3FB5] =	sst s7  }
0x10: {  	[smem:$0x3FB6] =	sst s8  }
0x11: {  	[smem:$0x3FB7] =	sst s9;
	s0 =	simm.s32 @!p0 $0x0  }
0x12: {  	s1 =	sld [smem:$0x3F9D];
	s0 =	simm.s32 @p0 $0x1  }
0x13: {  	[smem:$0x3FB8] =	sst s0;
	s0 =	simm.s32 @!p1 $0x0  }
0x14: {  	s2 =	sld [smem:$0x3F9C];
	s0 =	simm.s32 @p1 $0x1  }
0x15: {  	[smem:$0x3FB9] =	sst s0;
	s0 =	simm.s32 @!p2 $0x0  }
0x16: {  	s3 =	sld [smem:$0x3FDB];
	s0 =	simm.s32 @p2 $0x1  }
0x17: {  	s4 =	simm.s32 $0x1BF5;
	[smem:$0x3FBB] =	sst s0  }
0x18: {  	s0 =	sld [smem:$0x3F9E];
	_ =	swait.ge [sflag:s4], $0x0  }
0x19: {  	s7 =	sld [smem:$0x3F9F]  }
0x1a: {  	s8 =	sadd.s32 $0xFFFFE003, lr  }
0x1b: {  	s9 =	sadd.s32 $0xFFFFFEF7, lr;
	s5 =	simm.s32 $0xFFFFFFFF;
	p2 =	slt.u32 s8, $0xFFFFF086  }
0x1c: {  	p1 =	slt.u32 s9, $0xF7A;
	s5 =	simm.s32 @!p2 $0x0  }
0x1d: {  	s5 =	simm.s32 @p1 $0x1;
	p0 =	seq.s32 s7, s2  }
0x1e: {  	s7 =	smul.u32 @!p0 $0xF7A, s2;
	p2 =	seq.s32 @!p0 s5, $0x0  }
0x1f: {  	s9 =	smul.u32 $0xF7A, s1;
	s8 =	simm.s32 @!p0 $0x1BF5;
	p2 =	por !p2, p0  }
0x20: {  	[sflag:s8] =	ssyncset.s32 @!p0 $0xFFFFF086;
	s6 =	sadd.s32 @!p0 s3, s7;
	s7 =	simm.s32 @!p0 $0x108  }
0x21: {  	s3 =	sadd.s32 s3, s9;
	s6 =	sadd.s32 @!p0 $0x88, s6;
	s7 =	simm.s32 @p2 $0x1082  }
0x22: {  	[simem:s7], [sflag:s8] =	dma.local @!p0 [hbm:s6], $0xF7A  }
0x23: {  	s9 =	sor.u32 $0xD0000000, s2;
	s6 =	simm.s32 $0x108;
	_ =	swait.ge @!p0 [sflag:s8], $0x0  }
0x24: {  	s3 =	sadd.s32 $0x88, s3;
	s6 =	simm.s32 @!p1 $0x1082;
	[sflag:s4] =	ssyncset.s32 $0xFFFFF086  }
0x25: {  	[simem:s6], [sflag:s4] =	dma.local [hbm:s3], $0xF7A  }
0x26: {  	[smem:$0x3F9F] =	sst s1;
	(tag) =	ssettag s2;
	_ =	strace s9  }
0x27: {  	s1 =	sld [smem:$0x3FAF]  }
0x28: {  	s2 =	sld [smem:$0x3FB0]  }
0x29: {  	s4 =	sld [smem:$0x3FB2]  }
0x2a: {  	p0 =	seq.s32 s5, $0x0;
	s5 =	sld [smem:$0x3FB3]  }
0x2b: {  	s6 =	sld [smem:$0x3FB4]  }
0x2c: {  	s7 =	sld [smem:$0x3FB5]  }
0x2d: {  	s3 =	simm.s32 $0x108;
	s8 =	sld [smem:$0x3FB6]  }
0x2e: {  	s3 =	simm.s32 @!p0 $0x1082;
	s9 =	sld [smem:$0x3FB7]  }
0x2f: {  	lr =	sadd.s32 s0, s3;
	s0 =	sld [smem:$0x3FAE]  }
0x30: {  	s3 =	sld [smem:$0x3FB1]  }
0x31: {  	[smem:$0x3FBA] =	sst s10  }
0x32: {  	s10 =	sld [smem:$0x3FB8];
	_ =	sdelay $0x3  }
0x33: {  	p0 =	seq.s32 s10, $0x1;
	s10 =	sld [smem:$0x3FBA];
	_ =	sdelay $0x3  }
0x34: {  	[smem:$0x3FBA] =	sst s10  }
0x35: {  	s10 =	sld [smem:$0x3FB9];
	_ =	sdelay $0x3  }
0x36: {  	p1 =	seq.s32 s10, $0x1;
	s10 =	sld [smem:$0x3FBA];
	_ =	sdelay $0x3  }
0x37: {  	[smem:$0x3FBA] =	sst s10  }
0x38: {  	s10 =	sld [smem:$0x3FBB]  }
0x39: {  	_ = 	snop;
	(pc) =	sbr.ind lr, $3  }
0x3a: {  	_ = 	snop  }
0x3b: {  	_ = 	snop  }
0x3c: {  	p2 =	seq.s32 s10, $0x1;
	s10 =	sld [smem:$0x3FBA]  }
0x3d: {  	_ =	shalt  }
0x3e: {  	_ =	shalt  }
0x3f: {  	_ =	shalt  }
0x40: {  	_ =	shalt  }
0x41: {  	_ =	shalt  }
0x42: {  	_ =	shalt  }
0x43: {  	_ =	shalt  }
0x44: {  	_ =	shalt  }
0x45: {  	_ =	shalt  }
0x46: {  	_ =	shalt  }
0x47: {  	_ =	shalt  }
0x48: {  	_ =	shalt  }
0x49: {  	_ =	shalt  }
0x4a: {  	_ =	shalt  }
0x4b: {  	_ =	shalt  }
0x4c: {  	_ =	shalt  }
0x4d: {  	_ =	shalt  }
0x4e: {  	_ =	shalt  }
0x4f: {  	_ =	shalt  }
0x50: {  	_ =	shalt  }
0x51: {  	_ =	shalt  }
0x52: {  	_ =	shalt  }
0x53: {  	_ =	shalt  }
0x54: {  	_ =	shalt  }
0x55: {  	_ =	shalt  }
0x56: {  	_ =	shalt  }
0x57: {  	_ =	shalt  }
0x58: {  	_ =	shalt  }
0x59: {  	_ =	shalt  }
0x5a: {  	_ =	shalt  }
0x5b: {  	_ =	shalt  }
0x5c: {  	_ =	shalt  }
0x5d: {  	_ =	shalt  }
0x5e: {  	_ =	shalt  }
0x5f: {  	_ =	shalt  }
0x60: {  	_ =	shalt  }
0x61: {  	_ =	shalt  }
0x62: {  	_ =	shalt  }
0x63: {  	_ =	shalt  }
0x64: {  	_ =	shalt  }
0x65: {  	_ =	shalt  }
0x66: {  	_ =	shalt  }
0x67: {  	_ =	shalt  }
0x68: {  	_ =	shalt  }
0x69: {  	_ =	shalt  }
0x6a: {  	_ =	shalt  }
0x6b: {  	_ =	shalt  }
0x6c: {  	_ =	shalt  }
0x6d: {  	_ =	shalt  }
0x6e: {  	_ =	shalt  }
0x6f: {  	_ =	shalt  }
0x70: {  	_ =	shalt  }
0x71: {  	_ =	shalt  }
0x72: {  	_ =	shalt  }
0x73: {  	_ =	shalt  }
0x74: {  	_ =	shalt  }
0x75: {  	_ =	shalt  }
0x76: {  	_ =	shalt  }
0x77: {  	_ =	shalt  }
0x78: {  	_ =	shalt  }
0x79: {  	_ =	shalt  }
0x7a: {  	_ =	shalt  }
0x7b: {  	_ =	shalt  }
0x7c: {  	_ =	shalt  }
0x7d: {  	_ =	shalt  }
0x7e: {  	_ =	shalt  }
0x7f: {  	_ =	shalt  }
0x80: {  	_ =	shalt  }
0x81: {  	_ =	shalt  }
0x82: {  	_ =	shalt  }
0x83: {  	_ =	shalt  }
0x84: {  	_ =	shalt  }
0x85: {  	_ =	shalt  }
0x86: {  	_ =	shalt  }
0x87: {  	_ =	shalt  }
.Lfunc_end0:
.L_simem_size_0:
called_computation_lowered:
.L_overlay_start_0:
0x88: {  	s2 =	sld [smem:$0x3FD9]  }
0x89: {  	s3 =	sld [smem:$0x3FFE];
	_ =	sdelay $0x1  }
0x8a: {  	s1 =	srdreg.scid  }
0x8b: {  	s0 =	sand.u32 $0x1, s1  }
0x8c: {  	s17 =	sshll.u32 s0, $0xA;
	s2 =	sadd.s32 s3, s2  }
0x8d: {  	s2 =	sadd.s32 s2, s17  }
0x8e: {  	[smem:$0x3FC6] =	sst s2  }
0x8f: {  	_ = 	snop  }
0x90: {  	s2 =	sld [smem:$0x3FD0];
	(tm) =	ssettm $0x1  }
0x91: {  	s18 =	sld [smem:$0x3FFB];
	_ =	sdelay $0x3  }
0x92: {  	_ =	strace s18  }
0x93: {  	s3 =	sld [smem:$0x3FFC];
	_ =	sdelay $0x3  }
0x94: {  	_ =	strace s3  }
0x95: {  	s3 =	sld [smem:$0x3FFD];
	_ =	sdelay $0x3  }
0x96: {  	_ =	strace s3  }
0x97: {  	_ =	strace $0x8FFFFFFF  }
0x98: {  	s19 =	sld [smem:$0x3FDB];
	_ =	sdelay $0x1  }
0x99: {  	s4 =	simm.s32 $_scs_section_size  }
0x9a: {  	s5 =	simm.s32 $_size__tile_overlayer_lowered;
	s6 =	simm.s32 $_tile_overlayer_lowered  }
0x9b: {  	s22 =	simm.s32 $0x1BFF;
	s21 =	sshll.u32 s6, $0x1;
	s3 =	sadd.s32 s4, s19  }
0x9c: {  	s7 =	simm.s32 $0x0;
	s20 =	sshll.u32 s5, $0x1;
	s5 =	sadd.s32 s21, s3  }
0x9d: {  	[timem:s7], [sflag:s22] =	dma.local [hbm:s5], s20  }
0x9e: {  	_ =	swait.ge [sflag:s22], s20  }
0x9f: {  	s4 =	ssub.s32 $0x0, s20;
	[sflag:s22] =	ssyncset.done $0x0  }
0xa0: {  	[sflag:s22] =	ssyncadd.s32 s4;
	_ =	sdelay $0x1  }
0xa1: {  	s23 =	simm.s32 $0x1B8B  }
0xa2: {  	_ =	swait.ge [sflag:s23], $0x1  }
0xa3: {  	[sflag:s23] =	ssyncset.done $0x0  }
0xa4: {  	s25 =	simm.s32 $0x1B8E;
	s24 =	sld [smem:$0x3FFE];
	[sflag:s23] =	ssyncadd.s32 $0xFFFFFFFF  }
0xa5: {  	s26 =	simm.s32 $execute0_lowered;
	[smem:$0x3FD2] =	sst s25  }
0xa6: {  	s5 =	sshll.u32 s26, $0x1;
	_ =	strace $0x80000046;
	[dreg:$0x1] =	wrdreg $0xFFFFFFFF  }
0xa7: {  	s28 =	simm.s32 $_size_execute0_lowered;
	s3 =	sadd.s32 s3, s5;
	[dreg:$0x0] =	wrdreg $0x0  }
0xa8: {  	s5 =	sshll.u32 s28, $0x1;
	[dreg:$0x2] =	wrdreg s3  }
0xa9: {  	[dreg:$0x3] =	wrdreg s5  }
0xaa: {  	[dreg:$0x4] =	wrdreg $0xC0  }
0xab: {  	_ =	task [dreg:s7], $0x5FFFF  }
0xac: {  	[dreg:$0x1] =	wrdreg $0xFFFFFFFF  }
0xad: {  	[dreg:$0x0] =	wrdreg $0x60  }
0xae: {  	[dreg:$0x2] =	wrdreg s24  }
0xaf: {  	[dreg:$0x3] =	wrdreg s2  }
0xb0: {  	[dreg:$0x4] =	wrdreg $0x9  }
0xb1: {  	_ =	task.clear_ibuf [dreg:s7], $0x5FFFF;
	_ =	strace $0x90000046  }
0xb2: {  	s29 =	simm.s32 $0x9;
	_ =	strace $0x80000048  }
0xb3: {  	_ =	swait.ge [sflag:s29], $0x1  }
0xb4: {  	[sflag:s29] =	ssyncadd.s32 $0xFFFFFFFF  }
0xb5: {  	_ =	strace $0x90000048  }
0xb6: {  	_ =	sfence  }
0xb7: {  	s30 =	sld [smem:$0x0];
	_ =	sdelay $0x2  }
0xb8: {  	s31 =	sshll.u32 s1, $0xD;
	s1 =	sshrl.u32 s1, $0x2  }
0xb9: {  	s3 =	sand.u32 $0x4000, s31;
	s1 =	sadd.s32 s1, s30  }
0xba: {  	s0 =	sor.u32 s3, s0;
	s1 =	sshll.u32 s1, $0x11  }
0xbb: {  	s0 =	sor.u32 s1, s0  }
0xbc: {  	s0 =	sadd.s32 $0x8F2B, s0  }
0xbd: {  	[sflag:s0] =	ssyncadd.remote.s32 $0x1  }
0xbe: {  	_ =	sfence.sel $0xFFFF  }
0xbf: {  	[dreg:$0x0] =	wrdreg $0xFFFFFFFF;
	(pc) =	sbr.abs _section_cstart, $3  }
0xc0: {  	[dreg:$0x1] =	wrdreg $0xFFFFFFFF  }
0xc1: {  	_ =	task.clear_ibuf [dreg:s7], $0x2FFFF;
	_ =	strace $0x9FFFFFFF  }
0xc2: {  	(tm) =	ssettm $0x7FFFFFFF  }
0xc3: {  	_ =	shalt  }
tec
execute0_lowered:
.L_overlay_start_1:
0x0: {  	(tag) =	ssettag $0x1  }
0x1: {  	s4 =	rddreg [dreg:$0x0]  }
0x2: {  	s5 =	rddreg [dreg:$0x1]  }
0x3: {  	s0 =	rddreg [dreg:$0x2]  }
0x4: {  	s2 =	simm.s32 $0x0;
	s3 =	srdreg.scid;
	s1 =	stileid.u32  }
0x5: {  	s13 =	simm.s32 $0x2;
	s14 =	simm.s32 $0x6400;
	s15 =	simm.s32 $0x7400  }
0x6: {  	s16 =	simm.s32 $0x100;
	s17 =	simm.s32 $0x8400;
	s18 =	simm.s32 $0x180  }
0x7: {  	s19 =	simm.s32 $0x9400;
	s20 =	simm.s32 $0x1;
	s21 =	simm.s32 $0x20  }
0x8: {  	s22 =	simm.s32 $0x0;
	[smem:$0x7FF] =	sst s2;
	s8 =	sand.u32 $0x1, s3  }
0x9: {  	s3 =	sadd.s32 $0xA00, s4;
	s6 =	sshll.u32 s1, $0x8;
	s9 =	sadd.s32 $0x3D1400, s4  }
0xa: {  	s11 =	sshll.u32 s1, $0xC;
	_ =	strace $0x80000047;
	s7 =	sshll.u32 s8, $0x7  }
0xb: {  	s29 =	ssub.s32 $0x2, s8;
	s11 =	sadd.s32 s11, s9;
	s6 =	sor.u32 s7, s6  }
0xc: {  	s12 =	sshll.u32 s8, $0xB;
	s30 =	sshrl.u32 s29, $0x1;
	s10 =	sshrl.u32 s6, $0x3  }
0xd: {  	s6 =	sshll.u32 s6, $0x4;
	s7 =	ssub.s32 s29, s30;
	s4 =	sadd.s32 s5, s10  }
0xe: {  	s31 =	sadd.s32 s6, s9;
	s5 =	smax.u32 s7, $0x1;
	s10 =	sadd.s32 s12, s11  }
0xf: {  	s12 =	simm.s32 $0x1000;
	s6 =	sadd.s32 $0x310000, s31;
	s7 =	sadd.s32 $0x310004, s31  }
0x10: {  	s11 =	simm.s32 $0x80;
	s8 =	sadd.s32 $0x310008, s31;
	s9 =	sadd.s32 $0x31000C, s31  }
.LBB2_1:
0x11: {  	[tilespmem:s2], [sflag:$0x2] =	stream.strided.gather [hbm4b:s4+s11], $0x6400, s12, s11, $0x38;
	[tilespmem:$0xA400] =	vst v63  }
0x12: {  	_ =	swait.ge [sflag:s13], $0x6400  }
0x13: {  	[sflag:s13] =	ssyncset.done $0x0  }
0x14: {  	[sflag:s13] =	ssyncadd.s32 $0xFFFF9C00  }
0x15: {  	[tilespmem:s14], [sflag:$0x1] =	stream.indirect.gather [hbm4b:s3+s11], $0x20, s2, s11, $0xb8;
	[tilespmem:$0xA400] =	vst v63  }
0x16: {  	_ = 	snop  }
0x17: {  	[tilespmem:s15], [sflag:$0x1] =	stream.indirect.gather [hbm4b:s3+s11], $0x20, s11, s11, $0xb8;
	[tilespmem:$0xA400] =	vst v63  }
0x18: {  	_ = 	snop  }
0x19: {  	[tilespmem:s17], [sflag:$0x1] =	stream.indirect.gather [hbm4b:s3+s11], $0x20, s16, s11, $0xb8;
	[tilespmem:$0xA400] =	vst v63  }
0x1a: {  	_ = 	snop  }
0x1b: {  	[tilespmem:s19], [sflag:$0x1] =	stream.indirect.gather [hbm4b:s3+s11], $0x20, s18, s11, $0xb8;
	[tilespmem:$0xA400] =	vst v63  }
0x1c: {  	_ =	swait.ge [sflag:s20], $0x1000  }
0x1d: {  	[sflag:s20] =	ssyncset.done $0x0  }
0x1e: {  	s23 =	sadd.s32 $0x0, s10;
	[sflag:s20] =	ssyncadd.s32 $0xFFFFF000  }
0x1f: {  	[hbm4b:s23+s21] =	stream.strided.scatter [tilespmem:s14], [sflag:$0x2], $0x1000, s11, s21, $0x38;
	[tilespmem:$0xA400] =	vst v63  }
0x20: {  	_ =	swait.ge [sflag:s13], $0x1000  }
0x21: {  	[sflag:s13] =	ssyncset.done $0x0  }
0x22: {  	s24 =	simm.s32 $0x200;
	[sflag:s13] =	ssyncadd.s32 $0xFFFFF000  }
0x23: {  	[tilespmem:s14], [sflag:$0x1] =	stream.indirect.gather [hbm4b:s3+s11], $0x20, s24, s11, $0xb8;
	[tilespmem:$0xA400] =	vst v63  }
0x24: {  	_ =	swait.ge [sflag:s20], $0x1000  }
0x25: {  	[sflag:s20] =	ssyncset.done $0x0  }
0x26: {  	s28 =	sadd.s32 $0x4, s23;
	[sflag:s20] =	ssyncadd.s32 $0xFFFFF000  }
0x27: {  	[hbm4b:s28+s21] =	stream.strided.scatter [tilespmem:s15], [sflag:$0x2], $0x1000, s11, s21, $0x38;
	[tilespmem:$0xA400] =	vst v63  }
0x28: {  	_ =	swait.ge [sflag:s13], $0x1000  }
0x29: {  	[sflag:s13] =	ssyncset.done $0x0  }
0x2a: {  	s29 =	simm.s32 $0x280;
	[sflag:s13] =	ssyncadd.s32 $0xFFFFF000  }
0x2b: {  	[tilespmem:s15], [sflag:$0x1] =	stream.indirect.gather [hbm4b:s3+s11], $0x20, s29, s11, $0xb8;
	[tilespmem:$0xA400] =	vst v63  }
0x2c: {  	_ =	swait.ge [sflag:s20], $0x1000  }
0x2d: {  	[sflag:s20] =	ssyncset.done $0x0  }
0x2e: {  	s30 =	sadd.s32 $0x8, s23;
	[sflag:s20] =	ssyncadd.s32 $0xFFFFF000  }
0x2f: {  	[hbm4b:s30+s21] =	stream.strided.scatter [tilespmem:s17], [sflag:$0x2], $0x1000, s11, s21, $0x38;
	[tilespmem:$0xA400] =	vst v63  }
0x30: {  	_ =	swait.ge [sflag:s13], $0x1000  }
0x31: {  	[sflag:s13] =	ssyncset.done $0x0  }
0x32: {  	s31 =	simm.s32 $0x300;
	[sflag:s13] =	ssyncadd.s32 $0xFFFFF000  }
0x33: {  	[tilespmem:s17], [sflag:$0x1] =	stream.indirect.gather [hbm4b:s3+s11], $0x20, s31, s11, $0xb8;
	[tilespmem:$0xA400] =	vst v63  }
0x34: {  	_ =	swait.ge [sflag:s20], $0x1000  }
0x35: {  	[sflag:s20] =	ssyncset.done $0x0  }
0x36: {  	s23 =	sadd.s32 $0xC, s23;
	[sflag:s20] =	ssyncadd.s32 $0xFFFFF000  }
0x37: {  	[hbm4b:s23+s21] =	stream.strided.scatter [tilespmem:s19], [sflag:$0x2], $0x1000, s11, s21, $0x38;
	[tilespmem:$0xA400] =	vst v63  }
0x38: {  	_ =	swait.ge [sflag:s13], $0x1000  }
0x39: {  	s25 =	simm.s32 $0x580;
	[sflag:s13] =	ssyncset.done $0x0  }
0x3a: {  	s24 =	simm.s32 $0x10000;
	s23 =	simm.s32 $0x380;
	[sflag:s13] =	ssyncadd.s32 $0xFFFFF000  }
.LBB2_2:
0x3b: {  	[tilespmem:s19], [sflag:$0x1] =	stream.indirect.gather [hbm4b:s3+s11], $0x20, s23, s11, $0xb8;
	[tilespmem:$0xA400] =	vst v63  }
0x3c: {  	s26 =	smov.u32 s24;
	s23 =	smov.u32 s25  }
0x3d: {  	p0 =	sne.s32 s24, $0x300000;
	s24 =	sadd.s32 $0x10000, s24;
	_ =	swait.ge [sflag:s20], $0x1000  }
0x3e: {  	[sflag:s20] =	ssyncset.done $0x0  }
0x3f: {  	s26 =	sadd.s32 s26, s10;
	[sflag:s20] =	ssyncadd.s32 $0xFFFFF000  }
0x40: {  	[hbm4b:s26+s21] =	stream.strided.scatter [tilespmem:s14], [sflag:$0x2], $0x1000, s11, s21, $0x38;
	[tilespmem:$0xA400] =	vst v63  }
0x41: {  	_ =	swait.ge [sflag:s13], $0x1000  }
0x42: {  	[sflag:s13] =	ssyncset.done $0x0  }
0x43: {  	s28 =	sadd.s32 $0xFFFFFE80, s25;
	[sflag:s13] =	ssyncadd.s32 $0xFFFFF000  }
0x44: {  	[tilespmem:s14], [sflag:$0x1] =	stream.indirect.gather [hbm4b:s3+s11], $0x20, s28, s11, $0xb8;
	[tilespmem:$0xA400] =	vst v63  }
0x45: {  	_ =	swait.ge [sflag:s20], $0x1000  }
0x46: {  	[sflag:s20] =	ssyncset.done $0x0  }
0x47: {  	s28 =	sadd.s32 $0x4, s26;
	[sflag:s20] =	ssyncadd.s32 $0xFFFFF000  }
0x48: {  	[hbm4b:s28+s21] =	stream.strided.scatter [tilespmem:s15], [sflag:$0x2], $0x1000, s11, s21, $0x38;
	[tilespmem:$0xA400] =	vst v63  }
0x49: {  	_ =	swait.ge [sflag:s13], $0x1000  }
0x4a: {  	[sflag:s13] =	ssyncset.done $0x0  }
0x4b: {  	s28 =	sadd.s32 $0xFFFFFF00, s25;
	[sflag:s13] =	ssyncadd.s32 $0xFFFFF000  }
0x4c: {  	[tilespmem:s15], [sflag:$0x1] =	stream.indirect.gather [hbm4b:s3+s11], $0x20, s28, s11, $0xb8;
	[tilespmem:$0xA400] =	vst v63  }
0x4d: {  	_ =	swait.ge [sflag:s20], $0x1000  }
0x4e: {  	[sflag:s20] =	ssyncset.done $0x0  }
0x4f: {  	s28 =	sadd.s32 $0x8, s26;
	[sflag:s20] =	ssyncadd.s32 $0xFFFFF000  }
0x50: {  	[hbm4b:s28+s21] =	stream.strided.scatter [tilespmem:s17], [sflag:$0x2], $0x1000, s11, s21, $0x38;
	[tilespmem:$0xA400] =	vst v63  }
0x51: {  	_ =	swait.ge [sflag:s13], $0x1000  }
0x52: {  	[sflag:s13] =	ssyncset.done $0x0  }
0x53: {  	s28 =	sadd.s32 $0xFFFFFF80, s25;
	[sflag:s13] =	ssyncadd.s32 $0xFFFFF000  }
0x54: {  	[tilespmem:s17], [sflag:$0x1] =	stream.indirect.gather [hbm4b:s3+s11], $0x20, s28, s11, $0xb8;
	[tilespmem:$0xA400] =	vst v63  }
0x55: {  	_ =	swait.ge [sflag:s20], $0x1000  }
0x56: {  	[sflag:s20] =	ssyncset.done $0x0  }
.Ltmp0:
0x57: {  	s26 =	sadd.s32 $0xC, s26;
	[sflag:s20] =	ssyncadd.s32 $0xFFFFF000;
	(pc) =	sbr.rel @p0 .LBB2_2-.Ltmp0, $4  }
0x58: {  	[hbm4b:s26+s21] =	stream.strided.scatter [tilespmem:s19], [sflag:$0x2], $0x1000, s11, s21, $0x38;
	[tilespmem:$0xA400] =	vst v63  }
0x59: {  	_ =	swait.ge [sflag:s13], $0x1000  }
0x5a: {  	[sflag:s13] =	ssyncset.done $0x0  }
0x5b: {  	s25 =	sadd.s32 $0x200, s25;
	[sflag:s13] =	ssyncadd.s32 $0xFFFFF000  }
0x5c: {  	[tilespmem:s19], [sflag:$0x1] =	stream.indirect.gather [hbm4b:s3+s11], $0x20, s23, s11, $0xb8;
	[tilespmem:$0xA400] =	vst v63  }
0x5d: {  	_ =	swait.ge [sflag:s20], $0x1000  }
0x5e: {  	[sflag:s20] =	ssyncset.done $0x0  }
0x5f: {  	[sflag:s20] =	ssyncadd.s32 $0xFFFFF000  }
0x60: {  	[hbm4b:s6+s21] =	stream.strided.scatter [tilespmem:s14], [sflag:$0x2], $0x1000, s11, s21, $0x38;
	[tilespmem:$0xA400] =	vst v63  }
0x61: {  	_ =	swait.ge [sflag:s13], $0x1000  }
0x62: {  	[sflag:s13] =	ssyncset.done $0x0  }
0x63: {  	[sflag:s13] =	ssyncadd.s32 $0xFFFFF000  }
0x64: {  	_ =	swait.ge [sflag:s20], $0x1000  }
0x65: {  	[sflag:s20] =	ssyncset.done $0x0  }
0x66: {  	[sflag:s20] =	ssyncadd.s32 $0xFFFFF000  }
0x67: {  	[hbm4b:s7+s21] =	stream.strided.scatter [tilespmem:s15], [sflag:$0x2], $0x1000, s11, s21, $0x38;
	[tilespmem:$0xA400] =	vst v63  }
0x68: {  	_ =	swait.ge [sflag:s13], $0x1000  }
0x69: {  	[sflag:s13] =	ssyncset.done $0x0  }
0x6a: {  	[sflag:s13] =	ssyncadd.s32 $0xFFFFF000  }
0x6b: {  	_ =	swait.ge [sflag:s20], $0x1000  }
0x6c: {  	[sflag:s20] =	ssyncset.done $0x0  }
0x6d: {  	[sflag:s20] =	ssyncadd.s32 $0xFFFFF000  }
0x6e: {  	[hbm4b:s8+s21] =	stream.strided.scatter [tilespmem:s17], [sflag:$0x2], $0x1000, s11, s21, $0x38;
	[tilespmem:$0xA400] =	vst v63  }
0x6f: {  	_ =	swait.ge [sflag:s13], $0x1000  }
0x70: {  	[sflag:s13] =	ssyncset.done $0x0  }
0x71: {  	[sflag:s13] =	ssyncadd.s32 $0xFFFFF000  }
0x72: {  	s22 =	sadd.s32 $0x1, s22;
	_ =	swait.ge [sflag:s20], $0x1000  }
0x73: {  	p0 =	sne.s32 s22, s5;
	[sflag:s20] =	ssyncset.done $0x0  }
.Ltmp1:
0x74: {  	[sflag:s20] =	ssyncadd.s32 $0xFFFFF000;
	(pc) =	sbr.rel @p0 .LBB2_1-.Ltmp1, $4  }
0x75: {  	[hbm4b:s9+s21] =	stream.strided.scatter [tilespmem:s19], [sflag:$0x2], $0x1000, s11, s21, $0x38;
	[tilespmem:$0xA400] =	vst v63  }
0x76: {  	_ =	swait.ge [sflag:s13], $0x1000  }
0x77: {  	[sflag:s13] =	ssyncset.done $0x0  }
0x78: {  	[sflag:s13] =	ssyncadd.s32 $0xFFFFF000  }
0x79: {  	_ =	sfence.sel $0x180000  }
0x7a: {  	[bflag:$0x0] =	sbarrier.arrive $0xFFFF  }
0x7b: {  	p0 =	sne.s32 s1, $0x0;
	_ =	strace $0x90000047  }
0x7c: {  	s0 =	sadd.s32 @!p0 $0x100000, s0;
	[bflag:$0x2] =	sbarrier.arrive $0xFFFF  }
0x7d: {  	[sflag:s0] =	ssyncadd.tile.s32 @!p0 $0x1;
	_ =	shalt  }
.Lfunc_end2:
_tile_overlayer_lowered:
.L_overlay_start_2:
0x7e: {  	(tag) =	ssettag $0x2  }
0x7f: {  	s0 =	rddreg [dreg:$0x0];
	s2 =	stileid.u32  }
0x80: {  	s1 =	rddreg [dreg:$0x1];
	p0 =	sne.s32 s2, $0x0  }
0x81: {  	s3 =	rddreg [dreg:$0x2];
	[bflag:$0x3] =	sbarrier.arrive $0xFFFF;
	s2 =	simm.s32 @!p0 $0x1C02  }
0x82: {  	[timem:s3], [sflag:s2] =	dma.local @!p0 [hbm:s0], s1  }
0x83: {  	s0 =	simm.s32 @!p0 $0x2  }
0x84: {  	_ =	swait.ge @!p0 [sflag:s0], s1  }
0x85: {  	s1 =	ssub.s32 @!p0 $0x0, s1;
	[sflag:s0] =	ssyncset.done @!p0 $0x0  }
0x86: {  	[sflag:s0] =	ssyncadd.s32 @!p0 s1  }
0x87: {  	[bflag:$0x3] =	sbarrier.arrive $0xFFFF  }
0x88: {  	_ =	shalt  }

</sc_bundles>
